<compile_context>
chip_gen: v7x
topology: tpu7x:2x2x1
jax: 0.10.2.dev20260603
libtpu: 0.0.44.dev20260713+nightly
codegen_flags: <defaults>
</compile_context>

<pallas_src>
import functools

import jax
import jax.numpy as jnp
from jax import lax
from jax.experimental import pallas as pl
from jax.experimental.pallas import tpu as pltpu
from jax.experimental.pallas import tpu_sc as plsc

N = 10000
E = 160000
D_IN = 256
D_OUT = 256
HEADS = 8
ALPHA = 0.2

NC = 2
NS = 16
NW = NC * NS
EPW = E // NW
CHUNK = 128
NFULL = EPW // CHUNK
TAIL = EPW - NFULL * CHUNK

BN = 1000
TW = 128


def _proj_body(x_ref, v12_ref, ss_ref):
    ss_ref[...] = jnp.dot(x_ref[...], v12_ref[...],
                          preferred_element_type=jnp.float32)


def _project(x, v12):
    return pl.pallas_call(
        _proj_body,
        grid=(N // BN,),
        in_specs=[
            pl.BlockSpec((BN, D_IN), lambda i: (i, 0)),
            pl.BlockSpec((D_IN, 2 * TW), lambda i: (0, 0)),
        ],
        out_specs=pl.BlockSpec((BN, 2 * TW), lambda i: (i, 0)),
        out_shape=jax.ShapeDtypeStruct((N, 2 * TW), jnp.float32),
    )(x, v12)


def _edge_kernel(ta_hbm, tb_hbm, src_hbm, dst_hbm, out_hbm,
                 is_v, id_v, ra_v, rb_v, ro_v,
                 is_t, id_t, ra_t, rb_t, ro_t, sem):
    wid = lax.axis_index("s") * NC + lax.axis_index("c")
    base = wid * EPW

    def compute(ra, rb, ro, size):
        def body(e, carry):
            logit = ra[e, pl.ds(0, NS)] + rb[e, pl.ds(0, NS)]
            lrelu = jnp.where(logit > 0, logit, ALPHA * logit)
            ro[e] = jnp.exp(-lrelu)
            return carry
        lax.fori_loop(0, size, body, 0)

    def do_chunk(cbase, is_b, id_b, ra_b, rb_b, ro_b, size):
        pltpu.sync_copy(src_hbm.at[pl.ds(cbase, size)], is_b)
        pltpu.sync_copy(dst_hbm.at[pl.ds(cbase, size)], id_b)
        pltpu.async_copy(ta_hbm.at[is_b], ra_b, sem).wait()
        pltpu.async_copy(tb_hbm.at[id_b], rb_b, sem).wait()
        compute(ra_b, rb_b, ro_b, size)
        pltpu.sync_copy(ro_b, out_hbm.at[pl.ds(cbase, size)])

    def chunk_loop(i, carry):
        do_chunk(base + i * CHUNK, is_v, id_v, ra_v, rb_v, ro_v, CHUNK)
        return carry
    lax.fori_loop(0, NFULL, chunk_loop, 0)
    do_chunk(base + NFULL * CHUNK, is_t, id_t, ra_t, rb_t, ro_t, TAIL)


def _edge_coeffs(ta, tb, src, dst):
    mesh = plsc.VectorSubcoreMesh(core_axis_name="c", subcore_axis_name="s")
    kern = functools.partial(
        pl.kernel,
        mesh=mesh,
        out_type=jax.ShapeDtypeStruct((E, NS), jnp.float32),
        scratch_types=[
            pltpu.VMEM((CHUNK,), jnp.int32),
            pltpu.VMEM((CHUNK,), jnp.int32),
            pltpu.VMEM((CHUNK, TW), jnp.float32),
            pltpu.VMEM((CHUNK, TW), jnp.float32),
            pltpu.VMEM((CHUNK, NS), jnp.float32),
            pltpu.VMEM((TAIL,), jnp.int32),
            pltpu.VMEM((TAIL,), jnp.int32),
            pltpu.VMEM((TAIL, TW), jnp.float32),
            pltpu.VMEM((TAIL, TW), jnp.float32),
            pltpu.VMEM((TAIL, NS), jnp.float32),
            pltpu.SemaphoreType.DMA,
        ],
    )(_edge_kernel)
    return kern(ta, tb, src, dst)


def _norm_body(agg_ref, rs_ref, wc_ref, o_ref):
    for h in range(HEADS):
        ah = agg_ref[:, h * D_IN:(h + 1) * D_IN]
        wh = wc_ref[:, h * D_OUT:(h + 1) * D_OUT]
        oh = jnp.dot(ah, wh, preferred_element_type=jnp.float32)
        o_ref[:, h * D_OUT:(h + 1) * D_OUT] = oh / rs_ref[:, h:h + 1]


def _project_normalize(agg, rowsum, wc):
    return pl.pallas_call(
        _norm_body,
        grid=(N // BN,),
        in_specs=[
            pl.BlockSpec((BN, HEADS * D_IN), lambda i: (i, 0)),
            pl.BlockSpec((BN, HEADS), lambda i: (i, 0)),
            pl.BlockSpec((D_IN, HEADS * D_OUT), lambda i: (0, 0)),
        ],
        out_specs=pl.BlockSpec((BN, HEADS * D_OUT), lambda i: (i, 0)),
        out_shape=jax.ShapeDtypeStruct((N, HEADS * D_OUT), jnp.float32),
    )(agg, rowsum, wc)


@jax.jit
def kernel(x, edge_index, W, att):
    src = edge_index[0, :]
    dst = edge_index[1, :]

    wc = jnp.transpose(W, (1, 0, 2)).reshape(D_IN, HEADS * D_OUT)
    v1 = jnp.einsum("hij,hj->ih", W, att[:, :D_OUT])
    v2 = jnp.einsum("hij,hj->ih", W, att[:, D_OUT:])
    v12 = jnp.zeros((D_IN, 2 * TW), jnp.float32)
    v12 = v12.at[:, :HEADS].set(v1).at[:, TW:TW + HEADS].set(v2)

    ss = _project(x, v12)
    ta = ss[:, :TW]
    tb = ss[:, TW:]

    ee16 = _edge_coeffs(ta, tb, src, dst)
    ee = ee16[:, :HEADS]

    e_rowsum = jax.ops.segment_sum(ee, src, num_segments=N)
    xg = x[dst, :]
    weighted = (ee[:, :, None] * xg[:, None, :]).reshape(E, HEADS * D_IN)
    agg = jax.ops.segment_sum(weighted, src, num_segments=N)

    return _project_normalize(agg, e_rowsum, wc)

# --- scband reference (transcript-rebuilt; emitter-appended) ---
"""Pipeline reference for scband-sparse-graph-attention-71090298683924 (READ-ONLY COPY).

The authoritative reference and input builder live on the scoring server;
editing this copy changes nothing except your own understanding.
"""

import jax, jax.numpy as jnp
import numpy as np

N = 10000
E = 160000
D_IN = 256
D_OUT = 256
HEADS = 8
ALPHA = 0.2


def _glorot_uniform(key, shape):
    fan_in, fan_out = shape[-2], shape[-1]
    limit = np.sqrt(6.0 / (fan_in + fan_out))
    return jax.random.uniform(key, shape, minval=-limit, maxval=limit, dtype=jnp.float32)


def setup_inputs(seed: int = 0) -> dict:
    key = jax.random.key(seed)
    k1, k2, k3, k4 = jax.random.split(key, 4)
    x = jax.random.normal(k1, (N, D_IN), dtype=jnp.float32)
    edge_index = jax.random.randint(k2, (2, E), 0, N, dtype=jnp.int32)
    # per-head projection kernels W[h]: [D_IN, D_OUT]
    W = _glorot_uniform(k3, (HEADS, D_IN, D_OUT))
    # per-head attention kernels a[h]: [2*D_OUT] (original is [1, 2*D_OUT])
    limit = np.sqrt(6.0 / (1 + 2 * D_OUT))
    att = jax.random.uniform(k4, (HEADS, 2 * D_OUT), minval=-limit, maxval=limit, dtype=jnp.float32)
    return {"x": x, "edge_index": edge_index, "W": W, "att": att}


def reference(x, edge_index, W, att):
    # Sparse GAT layer (eval mode: dropout is identity), reduction='concat',
    # activation=None (identity), bias=False.
    src = edge_index[0, :]
    dst = edge_index[1, :]
    outputs = []
    for head in range(HEADS):
        h = x @ W[head]  # [N, D_OUT]
        # edge_h = cat(h[src], h[dst]) : [E, 2*D_OUT]; logits = a . edge_h
        edge_h = jnp.concatenate([h[src, :], h[dst, :]], axis=1)
        logits = edge_h @ att[head]  # [E]
        edge_e = jnp.exp(-jax.nn.leaky_relu(logits, negative_slope=ALPHA))  # [E]
        # e_rowsum = spmm(sparse(edge, edge_e, [N,N]), ones(N,1)) -> segment_sum over src
        e_rowsum = jax.ops.segment_sum(edge_e, src, num_segments=N)  # [N]
        # h_prime = spmm(sparse(edge, edge_e, [N,N]), h) -> scatter-add edge_e * h[dst] into src
        h_prime = jax.ops.segment_sum(edge_e[:, None] * h[dst, :], src, num_segments=N)  # [N, D_OUT]
        h_prime = h_prime / e_rowsum[:, None]
        outputs.append(h_prime)
    out = jnp.concatenate(outputs, axis=1)  # [N, HEADS*D_OUT]
    return out

if __name__ == "__main__":
    import jax
    _d = setup_inputs()
    print(jax.jit(kernel)(*tuple(_d.values())))

</pallas_src>

<mosaic_0001>
#map = affine_map<(d0, d1) -> (0, 0)>
#map1 = affine_map<(d0, d1) -> (0)>
module attributes {stable_mosaic.version = 14 : i64} {
  func.func @_edge_kernel(%arg0: i32, %arg1: i32, %arg2: memref<10000x128xf32, #tpu.memory_space<hbm>>, %arg3: memref<10000x128xf32, #tpu.memory_space<hbm>>, %arg4: memref<160000xi32, #tpu.memory_space<hbm>>, %arg5: memref<160000xi32, #tpu.memory_space<hbm>>, %arg6: memref<160000x16xf32, #tpu.memory_space<hbm>>, %arg7: memref<128xi32, #tpu.memory_space<vmem>>, %arg8: memref<128xi32, #tpu.memory_space<vmem>>, %arg9: memref<128x128xf32, #tpu.memory_space<vmem>>, %arg10: memref<128x128xf32, #tpu.memory_space<vmem>>, %arg11: memref<128x16xf32, #tpu.memory_space<vmem>>, %arg12: memref<8xi32, #tpu.memory_space<vmem>>, %arg13: memref<8xi32, #tpu.memory_space<vmem>>, %arg14: memref<8x128xf32, #tpu.memory_space<vmem>>, %arg15: memref<8x128xf32, #tpu.memory_space<vmem>>, %arg16: memref<8x16xf32, #tpu.memory_space<vmem>>, %arg17: memref<!tpu.dma_semaphore, #tpu.memory_space<semaphore_mem>>) attributes {dimension_semantics = [#tpu.dimension_semantics<core_parallel>, #tpu.dimension_semantics<subcore_parallel>], iteration_bounds = array<i64: 2, 16>, scalar_prefetch = 0 : i64, scratch_operands = 11 : i64, tpu.core_type = #tpu.core_type<sc_vector_subcore>, window_params = [{transform_indices = #map}, {transform_indices = #map}, {transform_indices = #map1}, {transform_indices = #map1}, {transform_indices = #map}]} {
    %mul3A = arith.constant 2 : i32
    %mul3A_0 = arith.muli %arg1, %mul3A : i32
    %add3A = arith.addi %mul3A_0, %arg0 : i32
    %mul3A_1 = arith.constant 5000 : i32
    %mul3A_2 = arith.muli %add3A, %mul3A_1 : i32
    %scan3A = arith.constant 0 : i32
    %scan3A_3 = arith.constant 0 : i32
    %scan3A_4 = arith.constant 39 : i32
    %scan3A_5 = arith.addi %scan3A_3, %scan3A_4 : i32
    %scan3A_6 = arith.constant 1 : i32
    scf.for %scan3A_26 = %scan3A_3 to %scan3A_5 step %scan3A_6  : i32 {
      %mul3A_27 = arith.constant 128 : i32
      %mul3A_28 = arith.muli %scan3A_26, %mul3A_27 : i32
      %add3A_29 = arith.addi %mul3A_2, %mul3A_28 : i32
      "tpu.region"() ({
        %run_scoped3A = tpu.sem_alloc : memref<!tpu.dma_semaphore, #tpu.memory_space<semaphore_mem>>
        %dma_start3A_48 = tpu.memref_slice %arg4[%add3A_29] : memref<160000xi32, #tpu.memory_space<hbm>> -> memref<128xi32, #tpu.memory_space<hbm>>
        %dma_start3A_49 = tpu.memref_slice %arg4[%add3A_29] : memref<160000xi32, #tpu.memory_space<hbm>> -> memref<128xi32, #tpu.memory_space<hbm>>
        tpu.enqueue_dma source(%dma_start3A_49 : memref<128xi32, #tpu.memory_space<hbm>>) target(%arg7 : memref<128xi32, #tpu.memory_space<vmem>>) target_semaphore(%run_scoped3A : memref<!tpu.dma_semaphore, #tpu.memory_space<semaphore_mem>>)
        %dma_wait3A_50 = tpu.memref_slice %arg4[%add3A_29] : memref<160000xi32, #tpu.memory_space<hbm>> -> memref<128xi32, #tpu.memory_space<hbm>>
        %dma_wait3A_51 = tpu.memref_slice %arg4[%add3A_29] : memref<160000xi32, #tpu.memory_space<hbm>> -> memref<128xi32, #tpu.memory_space<hbm>>
        tpu.wait_dma2 semaphore(%run_scoped3A : memref<!tpu.dma_semaphore, #tpu.memory_space<semaphore_mem>>) src(%dma_wait3A_51 : memref<128xi32, #tpu.memory_space<hbm>>) dst(%arg7 : memref<128xi32, #tpu.memory_space<vmem>>)
        tpu.yield
      }) : () -> ()
      "tpu.region"() ({
        %run_scoped3A = tpu.sem_alloc : memref<!tpu.dma_semaphore, #tpu.memory_space<semaphore_mem>>
        %dma_start3A_48 = tpu.memref_slice %arg5[%add3A_29] : memref<160000xi32, #tpu.memory_space<hbm>> -> memref<128xi32, #tpu.memory_space<hbm>>
        %dma_start3A_49 = tpu.memref_slice %arg5[%add3A_29] : memref<160000xi32, #tpu.memory_space<hbm>> -> memref<128xi32, #tpu.memory_space<hbm>>
        tpu.enqueue_dma source(%dma_start3A_49 : memref<128xi32, #tpu.memory_space<hbm>>) target(%arg8 : memref<128xi32, #tpu.memory_space<vmem>>) target_semaphore(%run_scoped3A : memref<!tpu.dma_semaphore, #tpu.memory_space<semaphore_mem>>)
        %dma_wait3A_50 = tpu.memref_slice %arg5[%add3A_29] : memref<160000xi32, #tpu.memory_space<hbm>> -> memref<128xi32, #tpu.memory_space<hbm>>
        %dma_wait3A_51 = tpu.memref_slice %arg5[%add3A_29] : memref<160000xi32, #tpu.memory_space<hbm>> -> memref<128xi32, #tpu.memory_space<hbm>>
        tpu.wait_dma2 semaphore(%run_scoped3A : memref<!tpu.dma_semaphore, #tpu.memory_space<semaphore_mem>>) src(%dma_wait3A_51 : memref<128xi32, #tpu.memory_space<hbm>>) dst(%arg8 : memref<128xi32, #tpu.memory_space<vmem>>)
        tpu.yield
      }) : () -> ()
      %dma_start3A_30 = arith.constant 0 : i32
      %dma_start3A_31 = arith.constant 0 : i32
      %dma_start3A_32 = tpu.memref_slice %arg2[%dma_start3A_30, %dma_start3A_31] : memref<10000x128xf32, #tpu.memory_space<hbm>> -> memref<10000x128xf32, #tpu.memory_space<hbm>>
      tpu.enqueue_indirect_dma source(%dma_start3A_32 : memref<10000x128xf32, #tpu.memory_space<hbm>>) target(%arg9 : memref<128x128xf32, #tpu.memory_space<vmem>>) offsets(%arg7 : memref<128xi32, #tpu.memory_space<vmem>>) semaphore(%arg17 : memref<!tpu.dma_semaphore, #tpu.memory_space<semaphore_mem>>)
      %dma_wait3A_33 = arith.constant 0 : i32
      %dma_wait3A_34 = arith.constant 0 : i32
      %dma_wait3A_35 = tpu.memref_slice %arg2[%dma_wait3A_33, %dma_wait3A_34] : memref<10000x128xf32, #tpu.memory_space<hbm>> -> memref<10000x128xf32, #tpu.memory_space<hbm>>
      tpu.wait_indirect_dma semaphore(%arg17 : memref<!tpu.dma_semaphore, #tpu.memory_space<semaphore_mem>>) src(%dma_wait3A_35 : memref<10000x128xf32, #tpu.memory_space<hbm>>) dst(%arg9 : memref<128x128xf32, #tpu.memory_space<vmem>>)
      %dma_start3A_36 = arith.constant 0 : i32
      %dma_start3A_37 = arith.constant 0 : i32
      %dma_start3A_38 = tpu.memref_slice %arg3[%dma_start3A_36, %dma_start3A_37] : memref<10000x128xf32, #tpu.memory_space<hbm>> -> memref<10000x128xf32, #tpu.memory_space<hbm>>
      tpu.enqueue_indirect_dma source(%dma_start3A_38 : memref<10000x128xf32, #tpu.memory_space<hbm>>) target(%arg10 : memref<128x128xf32, #tpu.memory_space<vmem>>) offsets(%arg8 : memref<128xi32, #tpu.memory_space<vmem>>) semaphore(%arg17 : memref<!tpu.dma_semaphore, #tpu.memory_space<semaphore_mem>>)
      %dma_wait3A_39 = arith.constant 0 : i32
      %dma_wait3A_40 = arith.constant 0 : i32
      %dma_wait3A_41 = tpu.memref_slice %arg3[%dma_wait3A_39, %dma_wait3A_40] : memref<10000x128xf32, #tpu.memory_space<hbm>> -> memref<10000x128xf32, #tpu.memory_space<hbm>>
      tpu.wait_indirect_dma semaphore(%arg17 : memref<!tpu.dma_semaphore, #tpu.memory_space<semaphore_mem>>) src(%dma_wait3A_41 : memref<10000x128xf32, #tpu.memory_space<hbm>>) dst(%arg10 : memref<128x128xf32, #tpu.memory_space<vmem>>)
      %scan3A_42 = arith.constant 0 : i32
      %scan3A_43 = arith.constant 0 : i32
      %scan3A_44 = arith.constant 128 : i32
      %scan3A_45 = arith.addi %scan3A_43, %scan3A_44 : i32
      %scan3A_46 = arith.constant 1 : i32
      scf.for %scan3A_48 = %scan3A_43 to %scan3A_45 step %scan3A_46  : i32 {
        %get3A = arith.index_cast %scan3A_48 : i32 to index
        %get3A_49 = arith.constant 0 : index
        %get3A_50 = tpu.vector_load %arg9[%get3A, %get3A_49] {strides = array<i32>} : memref<128x128xf32, #tpu.memory_space<vmem>>, vector<1x16xf32>,
        %get3A_51 = vector.shape_cast %get3A_50 : vector<1x16xf32> to vector<16xf32>
        %get3A_52 = arith.index_cast %scan3A_48 : i32 to index
        %get3A_53 = arith.constant 0 : index
        %get3A_54 = tpu.vector_load %arg10[%get3A_52, %get3A_53] {strides = array<i32>} : memref<128x128xf32, #tpu.memory_space<vmem>>, vector<1x16xf32>,
        %get3A_55 = vector.shape_cast %get3A_54 : vector<1x16xf32> to vector<16xf32>
        %add3A_56 = arith.addf %get3A_51, %get3A_55 : vector<16xf32>
        %gt3A = arith.constant 0.000000e+00 : f32
        %gt3A_57 = vector.broadcast %gt3A : f32 to vector<16xf32>
        %gt3A_58 = arith.cmpf ogt, %add3A_56, %gt3A_57 : vector<16xf32>
        %mul3A_59 = arith.constant 2.000000e-01 : f32
        %mul3A_60 = vector.broadcast %mul3A_59 : f32 to vector<16xf32>
        %mul3A_61 = arith.mulf %mul3A_60, %add3A_56 : vector<16xf32>
        %select_n3A = arith.select %gt3A_58, %add3A_56, %mul3A_61 : vector<16xi1>, vector<16xf32>
        %neg3A = arith.constant 0.000000e+00 : f32
        %neg3A_62 = vector.broadcast %neg3A : f32 to vector<16xf32>
        %neg3A_63 = arith.subf %neg3A_62, %select_n3A : vector<16xf32>
        %exp3A = math.exp %neg3A_63 : vector<16xf32>
        %swap3A = arith.index_cast %scan3A_48 : i32 to index
        %swap3A_64 = arith.constant 0 : index
        %swap3A_65 = tpu.vector_load %arg11[%swap3A, %swap3A_64] {strides = array<i32>} : memref<128x16xf32, #tpu.memory_space<vmem>>, vector<1x16xf32>,
        %swap3A_66 = vector.shape_cast %swap3A_65 : vector<1x16xf32> to vector<16xf32>
        %swap3A_67 = vector.shape_cast %exp3A : vector<16xf32> to vector<1x16xf32>
        tpu.vector_store %arg11[%swap3A, %swap3A_64], %swap3A_67 {strides = array<i32>} : memref<128x16xf32, #tpu.memory_space<vmem>>, vector<1x16xf32>,
      }
      %scan3A_47 = arith.constant 128 : i32
      "tpu.region"() ({
        %run_scoped3A = tpu.sem_alloc : memref<!tpu.dma_semaphore, #tpu.memory_space<semaphore_mem>>
        %dma_start3A_48 = arith.constant 0 : i32
        %dma_start3A_49 = tpu.memref_slice %arg6[%add3A_29, %dma_start3A_48] : memref<160000x16xf32, #tpu.memory_space<hbm>> -> memref<128x16xf32, #tpu.memory_space<hbm>>
        %dma_start3A_50 = arith.constant 0 : i32
        %dma_start3A_51 = tpu.memref_slice %arg6[%add3A_29, %dma_start3A_50] : memref<160000x16xf32, #tpu.memory_space<hbm>> -> memref<128x16xf32, #tpu.memory_space<hbm>>
        tpu.enqueue_dma source(%arg11 : memref<128x16xf32, #tpu.memory_space<vmem>>) target(%dma_start3A_51 : memref<128x16xf32, #tpu.memory_space<hbm>>) target_semaphore(%run_scoped3A : memref<!tpu.dma_semaphore, #tpu.memory_space<semaphore_mem>>)
        %dma_wait3A_52 = arith.constant 0 : i32
        %dma_wait3A_53 = tpu.memref_slice %arg6[%add3A_29, %dma_wait3A_52] : memref<160000x16xf32, #tpu.memory_space<hbm>> -> memref<128x16xf32, #tpu.memory_space<hbm>>
        %dma_wait3A_54 = arith.constant 0 : i32
        %dma_wait3A_55 = tpu.memref_slice %arg6[%add3A_29, %dma_wait3A_54] : memref<160000x16xf32, #tpu.memory_space<hbm>> -> memref<128x16xf32, #tpu.memory_space<hbm>>
        tpu.wait_dma2 semaphore(%run_scoped3A : memref<!tpu.dma_semaphore, #tpu.memory_space<semaphore_mem>>) src(%arg11 : memref<128x16xf32, #tpu.memory_space<vmem>>) dst(%dma_wait3A_55 : memref<128x16xf32, #tpu.memory_space<hbm>>)
        tpu.yield
      }) : () -> ()
    }
    %scan3A_7 = arith.constant 39 : i32
    %add3A_8 = arith.constant 4992 : i32
    %add3A_9 = arith.addi %mul3A_2, %add3A_8 : i32
    "tpu.region"() ({
      %run_scoped3A = tpu.sem_alloc : memref<!tpu.dma_semaphore, #tpu.memory_space<semaphore_mem>>
      %dma_start3A_26 = tpu.memref_slice %arg4[%add3A_9] : memref<160000xi32, #tpu.memory_space<hbm>> -> memref<8xi32, #tpu.memory_space<hbm>>
      %dma_start3A_27 = tpu.memref_slice %arg4[%add3A_9] : memref<160000xi32, #tpu.memory_space<hbm>> -> memref<8xi32, #tpu.memory_space<hbm>>
      tpu.enqueue_dma source(%dma_start3A_27 : memref<8xi32, #tpu.memory_space<hbm>>) target(%arg12 : memref<8xi32, #tpu.memory_space<vmem>>) target_semaphore(%run_scoped3A : memref<!tpu.dma_semaphore, #tpu.memory_space<semaphore_mem>>)
      %dma_wait3A_28 = tpu.memref_slice %arg4[%add3A_9] : memref<160000xi32, #tpu.memory_space<hbm>> -> memref<8xi32, #tpu.memory_space<hbm>>
      %dma_wait3A_29 = tpu.memref_slice %arg4[%add3A_9] : memref<160000xi32, #tpu.memory_space<hbm>> -> memref<8xi32, #tpu.memory_space<hbm>>
      tpu.wait_dma2 semaphore(%run_scoped3A : memref<!tpu.dma_semaphore, #tpu.memory_space<semaphore_mem>>) src(%dma_wait3A_29 : memref<8xi32, #tpu.memory_space<hbm>>) dst(%arg12 : memref<8xi32, #tpu.memory_space<vmem>>)
      tpu.yield
    }) : () -> ()
    "tpu.region"() ({
      %run_scoped3A = tpu.sem_alloc : memref<!tpu.dma_semaphore, #tpu.memory_space<semaphore_mem>>
      %dma_start3A_26 = tpu.memref_slice %arg5[%add3A_9] : memref<160000xi32, #tpu.memory_space<hbm>> -> memref<8xi32, #tpu.memory_space<hbm>>
      %dma_start3A_27 = tpu.memref_slice %arg5[%add3A_9] : memref<160000xi32, #tpu.memory_space<hbm>> -> memref<8xi32, #tpu.memory_space<hbm>>
      tpu.enqueue_dma source(%dma_start3A_27 : memref<8xi32, #tpu.memory_space<hbm>>) target(%arg13 : memref<8xi32, #tpu.memory_space<vmem>>) target_semaphore(%run_scoped3A : memref<!tpu.dma_semaphore, #tpu.memory_space<semaphore_mem>>)
      %dma_wait3A_28 = tpu.memref_slice %arg5[%add3A_9] : memref<160000xi32, #tpu.memory_space<hbm>> -> memref<8xi32, #tpu.memory_space<hbm>>
      %dma_wait3A_29 = tpu.memref_slice %arg5[%add3A_9] : memref<160000xi32, #tpu.memory_space<hbm>> -> memref<8xi32, #tpu.memory_space<hbm>>
      tpu.wait_dma2 semaphore(%run_scoped3A : memref<!tpu.dma_semaphore, #tpu.memory_space<semaphore_mem>>) src(%dma_wait3A_29 : memref<8xi32, #tpu.memory_space<hbm>>) dst(%arg13 : memref<8xi32, #tpu.memory_space<vmem>>)
      tpu.yield
    }) : () -> ()
    %dma_start3A = arith.constant 0 : i32
    %dma_start3A_10 = arith.constant 0 : i32
    %dma_start3A_11 = tpu.memref_slice %arg2[%dma_start3A, %dma_start3A_10] : memref<10000x128xf32, #tpu.memory_space<hbm>> -> memref<10000x128xf32, #tpu.memory_space<hbm>>
    tpu.enqueue_indirect_dma source(%dma_start3A_11 : memref<10000x128xf32, #tpu.memory_space<hbm>>) target(%arg14 : memref<8x128xf32, #tpu.memory_space<vmem>>) offsets(%arg12 : memref<8xi32, #tpu.memory_space<vmem>>) semaphore(%arg17 : memref<!tpu.dma_semaphore, #tpu.memory_space<semaphore_mem>>)
    %dma_wait3A = arith.constant 0 : i32
    %dma_wait3A_12 = arith.constant 0 : i32
    %dma_wait3A_13 = tpu.memref_slice %arg2[%dma_wait3A, %dma_wait3A_12] : memref<10000x128xf32, #tpu.memory_space<hbm>> -> memref<10000x128xf32, #tpu.memory_space<hbm>>
    tpu.wait_indirect_dma semaphore(%arg17 : memref<!tpu.dma_semaphore, #tpu.memory_space<semaphore_mem>>) src(%dma_wait3A_13 : memref<10000x128xf32, #tpu.memory_space<hbm>>) dst(%arg14 : memref<8x128xf32, #tpu.memory_space<vmem>>)
    %dma_start3A_14 = arith.constant 0 : i32
    %dma_start3A_15 = arith.constant 0 : i32
    %dma_start3A_16 = tpu.memref_slice %arg3[%dma_start3A_14, %dma_start3A_15] : memref<10000x128xf32, #tpu.memory_space<hbm>> -> memref<10000x128xf32, #tpu.memory_space<hbm>>
    tpu.enqueue_indirect_dma source(%dma_start3A_16 : memref<10000x128xf32, #tpu.memory_space<hbm>>) target(%arg15 : memref<8x128xf32, #tpu.memory_space<vmem>>) offsets(%arg13 : memref<8xi32, #tpu.memory_space<vmem>>) semaphore(%arg17 : memref<!tpu.dma_semaphore, #tpu.memory_space<semaphore_mem>>)
    %dma_wait3A_17 = arith.constant 0 : i32
    %dma_wait3A_18 = arith.constant 0 : i32
    %dma_wait3A_19 = tpu.memref_slice %arg3[%dma_wait3A_17, %dma_wait3A_18] : memref<10000x128xf32, #tpu.memory_space<hbm>> -> memref<10000x128xf32, #tpu.memory_space<hbm>>
    tpu.wait_indirect_dma semaphore(%arg17 : memref<!tpu.dma_semaphore, #tpu.memory_space<semaphore_mem>>) src(%dma_wait3A_19 : memref<10000x128xf32, #tpu.memory_space<hbm>>) dst(%arg15 : memref<8x128xf32, #tpu.memory_space<vmem>>)
    %scan3A_20 = arith.constant 0 : i32
    %scan3A_21 = arith.constant 0 : i32
    %scan3A_22 = arith.constant 8 : i32
    %scan3A_23 = arith.addi %scan3A_21, %scan3A_22 : i32
    %scan3A_24 = arith.constant 1 : i32
    scf.for %scan3A_26 = %scan3A_21 to %scan3A_23 step %scan3A_24  : i32 {
      %get3A = arith.index_cast %scan3A_26 : i32 to index
      %get3A_27 = arith.constant 0 : index
      %get3A_28 = tpu.vector_load %arg14[%get3A, %get3A_27] {strides = array<i32>} : memref<8x128xf32, #tpu.memory_space<vmem>>, vector<1x16xf32>,
      %get3A_29 = vector.shape_cast %get3A_28 : vector<1x16xf32> to vector<16xf32>
      %get3A_30 = arith.index_cast %scan3A_26 : i32 to index
      %get3A_31 = arith.constant 0 : index
      %get3A_32 = tpu.vector_load %arg15[%get3A_30, %get3A_31] {strides = array<i32>} : memref<8x128xf32, #tpu.memory_space<vmem>>, vector<1x16xf32>,
      %get3A_33 = vector.shape_cast %get3A_32 : vector<1x16xf32> to vector<16xf32>
      %add3A_34 = arith.addf %get3A_29, %get3A_33 : vector<16xf32>
      %gt3A = arith.constant 0.000000e+00 : f32
      %gt3A_35 = vector.broadcast %gt3A : f32 to vector<16xf32>
      %gt3A_36 = arith.cmpf ogt, %add3A_34, %gt3A_35 : vector<16xf32>
      %mul3A_37 = arith.constant 2.000000e-01 : f32
      %mul3A_38 = vector.broadcast %mul3A_37 : f32 to vector<16xf32>
      %mul3A_39 = arith.mulf %mul3A_38, %add3A_34 : vector<16xf32>
      %select_n3A = arith.select %gt3A_36, %add3A_34, %mul3A_39 : vector<16xi1>, vector<16xf32>
      %neg3A = arith.constant 0.000000e+00 : f32
      %neg3A_40 = vector.broadcast %neg3A : f32 to vector<16xf32>
      %neg3A_41 = arith.subf %neg3A_40, %select_n3A : vector<16xf32>
      %exp3A = math.exp %neg3A_41 : vector<16xf32>
      %swap3A = arith.index_cast %scan3A_26 : i32 to index
      %swap3A_42 = arith.constant 0 : index
      %swap3A_43 = tpu.vector_load %arg16[%swap3A, %swap3A_42] {strides = array<i32>} : memref<8x16xf32, #tpu.memory_space<vmem>>, vector<1x16xf32>,
      %swap3A_44 = vector.shape_cast %swap3A_43 : vector<1x16xf32> to vector<16xf32>
      %swap3A_45 = vector.shape_cast %exp3A : vector<16xf32> to vector<1x16xf32>
      tpu.vector_store %arg16[%swap3A, %swap3A_42], %swap3A_45 {strides = array<i32>} : memref<8x16xf32, #tpu.memory_space<vmem>>, vector<1x16xf32>,
    }
    %scan3A_25 = arith.constant 8 : i32
    "tpu.region"() ({
      %run_scoped3A = tpu.sem_alloc : memref<!tpu.dma_semaphore, #tpu.memory_space<semaphore_mem>>
      %dma_start3A_26 = arith.constant 0 : i32
      %dma_start3A_27 = tpu.memref_slice %arg6[%add3A_9, %dma_start3A_26] : memref<160000x16xf32, #tpu.memory_space<hbm>> -> memref<8x16xf32, #tpu.memory_space<hbm>>
      %dma_start3A_28 = arith.constant 0 : i32
      %dma_start3A_29 = tpu.memref_slice %arg6[%add3A_9, %dma_start3A_28] : memref<160000x16xf32, #tpu.memory_space<hbm>> -> memref<8x16xf32, #tpu.memory_space<hbm>>
      tpu.enqueue_dma source(%arg16 : memref<8x16xf32, #tpu.memory_space<vmem>>) target(%dma_start3A_29 : memref<8x16xf32, #tpu.memory_space<hbm>>) target_semaphore(%run_scoped3A : memref<!tpu.dma_semaphore, #tpu.memory_space<semaphore_mem>>)
      %dma_wait3A_30 = arith.constant 0 : i32
      %dma_wait3A_31 = tpu.memref_slice %arg6[%add3A_9, %dma_wait3A_30] : memref<160000x16xf32, #tpu.memory_space<hbm>> -> memref<8x16xf32, #tpu.memory_space<hbm>>
      %dma_wait3A_32 = arith.constant 0 : i32
      %dma_wait3A_33 = tpu.memref_slice %arg6[%add3A_9, %dma_wait3A_32] : memref<160000x16xf32, #tpu.memory_space<hbm>> -> memref<8x16xf32, #tpu.memory_space<hbm>>
      tpu.wait_dma2 semaphore(%run_scoped3A : memref<!tpu.dma_semaphore, #tpu.memory_space<semaphore_mem>>) src(%arg16 : memref<8x16xf32, #tpu.memory_space<vmem>>) dst(%dma_wait3A_33 : memref<8x16xf32, #tpu.memory_space<hbm>>)
      tpu.yield
    }) : () -> ()
    return
  }
}

module attributes {stable_mosaic.version = 14 : i64} {
  func.func @_proj_body(%arg0: i32, %arg1: memref<1000x256xf32, #tpu.memory_space<vmem>>, %arg2: memref<256x256xf32, #tpu.memory_space<vmem>>, %arg3: memref<1000x256xf32, #tpu.memory_space<vmem>>) attributes {dimension_semantics = [#tpu.dimension_semantics<arbitrary>], iteration_bounds = array<i64: 10>, scalar_prefetch = 0 : i64, scratch_operands = 0 : i64, tpu.core_type = #tpu.core_type<tc>, window_params = [{transform_indices = @transform_0, window_bounds = array<i64: 1000, 256>}, {pipeline_mode = #tpu.pipeline_mode<synchronous>, transform_indices = @transform_1, window_bounds = array<i64: 256, 256>}, {transform_indices = @transform_2, window_bounds = array<i64: 1000, 256>}]} {
    %get3A = arith.constant 0 : index
    %get3A_0 = arith.constant 0 : index
    %get3A_1 = vector.load %arg1[%get3A, %get3A_0] : memref<1000x256xf32, #tpu.memory_space<vmem>>, vector<1000x256xf32>
    %get3A_2 = arith.constant 0 : index
    %get3A_3 = arith.constant 0 : index
    %get3A_4 = vector.load %arg2[%get3A_2, %get3A_3] : memref<256x256xf32, #tpu.memory_space<vmem>>, vector<256x256xf32>
    %dot_general3A = arith.constant dense<0.000000e+00> : vector<1000x256xf32>
    %dot_general3A_5 = tpu.matmul %get3A_1, %get3A_4, %dot_general3A {dimension_numbers = #tpu.dot_dimension_numbers<[1], [0], [0], [1], [0, 0, 1, 1], [], []>, transpose_lhs_hint = false} : vector<1000x256xf32>, vector<256x256xf32>, vector<1000x256xf32> -> vector<1000x256xf32>
    %swap3A = arith.constant 0 : index
    %swap3A_6 = arith.constant 0 : index
    %swap3A_7 = vector.load %arg3[%swap3A, %swap3A_6] : memref<1000x256xf32, #tpu.memory_space<vmem>>, vector<1000x256xf32>
    tpu.vector_store %arg3[%swap3A, %swap3A_6], %dot_general3A_5 {strides = array<i32>} : memref<1000x256xf32, #tpu.memory_space<vmem>>, vector<1000x256xf32>,
    return
  }
  func.func @transform_0(%arg0: i32) -> (i32, i32) {
    %c0_i32 = arith.constant 0 : i32
    %c0_i32_0 = arith.constant 0 : i32
    return %arg0, %c0_i32 : i32, i32
  }
  func.func @transform_1(%arg0: i32) -> (i32, i32) {
    %c0_i32 = arith.constant 0 : i32
    %c0_i32_0 = arith.constant 0 : i32
    %c0_i32_1 = arith.constant 0 : i32
    return %c0_i32, %c0_i32_0 : i32, i32
  }
  func.func @transform_2(%arg0: i32) -> (i32, i32) {
    %c0_i32 = arith.constant 0 : i32
    %c0_i32_0 = arith.constant 0 : i32
    return %arg0, %c0_i32 : i32, i32
  }
}

module attributes {stable_mosaic.version = 14 : i64} {
  func.func @_norm_body(%arg0: i32, %arg1: memref<1000x2048xf32, #tpu.memory_space<vmem>>, %arg2: memref<1000x8xf32, #tpu.memory_space<vmem>>, %arg3: memref<256x2048xf32, #tpu.memory_space<vmem>>, %arg4: memref<1000x2048xf32, #tpu.memory_space<vmem>>) attributes {dimension_semantics = [#tpu.dimension_semantics<arbitrary>], iteration_bounds = array<i64: 10>, scalar_prefetch = 0 : i64, scratch_operands = 0 : i64, tpu.core_type = #tpu.core_type<tc>, window_params = [{transform_indices = @transform_0, window_bounds = array<i64: 1000, 2048>}, {transform_indices = @transform_1, window_bounds = array<i64: 1000, 8>}, {pipeline_mode = #tpu.pipeline_mode<synchronous>, transform_indices = @transform_2, window_bounds = array<i64: 256, 2048>}, {transform_indices = @transform_3, window_bounds = array<i64: 1000, 2048>}]} {
    %get3A = arith.constant 0 : index
    %get3A_0 = arith.constant 0 : index
    %get3A_1 = vector.load %arg1[%get3A, %get3A_0] : memref<1000x2048xf32, #tpu.memory_space<vmem>>, vector<1000x256xf32>
    %get3A_2 = arith.constant 0 : index
    %get3A_3 = arith.constant 0 : index
    %get3A_4 = vector.load %arg3[%get3A_2, %get3A_3] : memref<256x2048xf32, #tpu.memory_space<vmem>>, vector<256x256xf32>
    %dot_general3A = arith.constant dense<0.000000e+00> : vector<1000x256xf32>
    %dot_general3A_5 = tpu.matmul %get3A_1, %get3A_4, %dot_general3A {dimension_numbers = #tpu.dot_dimension_numbers<[1], [0], [0], [1], [0, 0, 1, 1], [], []>, transpose_lhs_hint = false} : vector<1000x256xf32>, vector<256x256xf32>, vector<1000x256xf32> -> vector<1000x256xf32>
    %get3A_6 = arith.constant 0 : index
    %get3A_7 = arith.constant 0 : index
    %get3A_8 = vector.load %arg2[%get3A_6, %get3A_7] : memref<1000x8xf32, #tpu.memory_space<vmem>>, vector<1000x1xf32>
    %div3A = vector.broadcast %get3A_8 : vector<1000x1xf32> to vector<1000x256xf32>
    %div3A_9 = arith.divf %dot_general3A_5, %div3A : vector<1000x256xf32>
    %swap3A = arith.constant 0 : index
    %swap3A_10 = arith.constant 0 : index
    %swap3A_11 = vector.load %arg4[%swap3A, %swap3A_10] : memref<1000x2048xf32, #tpu.memory_space<vmem>>, vector<1000x256xf32>
    tpu.vector_store %arg4[%swap3A, %swap3A_10], %div3A_9 {strides = array<i32>} : memref<1000x2048xf32, #tpu.memory_space<vmem>>, vector<1000x256xf32>,
    %get3A_12 = arith.constant 0 : index
    %get3A_13 = arith.constant 256 : index
    %get3A_14 = vector.load %arg1[%get3A_12, %get3A_13] : memref<1000x2048xf32, #tpu.memory_space<vmem>>, vector<1000x256xf32>
    %get3A_15 = arith.constant 0 : index
    %get3A_16 = arith.constant 256 : index
    %get3A_17 = vector.load %arg3[%get3A_15, %get3A_16] : memref<256x2048xf32, #tpu.memory_space<vmem>>, vector<256x256xf32>
    %dot_general3A_18 = arith.constant dense<0.000000e+00> : vector<1000x256xf32>
    %dot_general3A_19 = tpu.matmul %get3A_14, %get3A_17, %dot_general3A_18 {dimension_numbers = #tpu.dot_dimension_numbers<[1], [0], [0], [1], [0, 0, 1, 1], [], []>, transpose_lhs_hint = false} : vector<1000x256xf32>, vector<256x256xf32>, vector<1000x256xf32> -> vector<1000x256xf32>
    %get3A_20 = arith.constant 0 : index
    %get3A_21 = arith.constant 1 : index
    %get3A_22 = vector.load %arg2[%get3A_20, %get3A_21] : memref<1000x8xf32, #tpu.memory_space<vmem>>, vector<1000x1xf32>
    %div3A_23 = vector.broadcast %get3A_22 : vector<1000x1xf32> to vector<1000x256xf32>
    %div3A_24 = arith.divf %dot_general3A_19, %div3A_23 : vector<1000x256xf32>
    %swap3A_25 = arith.constant 0 : index
    %swap3A_26 = arith.constant 256 : index
    %swap3A_27 = vector.load %arg4[%swap3A_25, %swap3A_26] : memref<1000x2048xf32, #tpu.memory_space<vmem>>, vector<1000x256xf32>
    tpu.vector_store %arg4[%swap3A_25, %swap3A_26], %div3A_24 {strides = array<i32>} : memref<1000x2048xf32, #tpu.memory_space<vmem>>, vector<1000x256xf32>,
    %get3A_28 = arith.constant 0 : index
    %get3A_29 = arith.constant 512 : index
    %get3A_30 = vector.load %arg1[%get3A_28, %get3A_29] : memref<1000x2048xf32, #tpu.memory_space<vmem>>, vector<1000x256xf32>
    %get3A_31 = arith.constant 0 : index
    %get3A_32 = arith.constant 512 : index
    %get3A_33 = vector.load %arg3[%get3A_31, %get3A_32] : memref<256x2048xf32, #tpu.memory_space<vmem>>, vector<256x256xf32>
    %dot_general3A_34 = arith.constant dense<0.000000e+00> : vector<1000x256xf32>
    %dot_general3A_35 = tpu.matmul %get3A_30, %get3A_33, %dot_general3A_34 {dimension_numbers = #tpu.dot_dimension_numbers<[1], [0], [0], [1], [0, 0, 1, 1], [], []>, transpose_lhs_hint = false} : vector<1000x256xf32>, vector<256x256xf32>, vector<1000x256xf32> -> vector<1000x256xf32>
    %get3A_36 = arith.constant 0 : index
    %get3A_37 = arith.constant 2 : index
    %get3A_38 = vector.load %arg2[%get3A_36, %get3A_37] : memref<1000x8xf32, #tpu.memory_space<vmem>>, vector<1000x1xf32>
    %div3A_39 = vector.broadcast %get3A_38 : vector<1000x1xf32> to vector<1000x256xf32>
    %div3A_40 = arith.divf %dot_general3A_35, %div3A_39 : vector<1000x256xf32>
    %swap3A_41 = arith.constant 0 : index
    %swap3A_42 = arith.constant 512 : index
    %swap3A_43 = vector.load %arg4[%swap3A_41, %swap3A_42] : memref<1000x2048xf32, #tpu.memory_space<vmem>>, vector<1000x256xf32>
    tpu.vector_store %arg4[%swap3A_41, %swap3A_42], %div3A_40 {strides = array<i32>} : memref<1000x2048xf32, #tpu.memory_space<vmem>>, vector<1000x256xf32>,
    %get3A_44 = arith.constant 0 : index
    %get3A_45 = arith.constant 768 : index
    %get3A_46 = vector.load %arg1[%get3A_44, %get3A_45] : memref<1000x2048xf32, #tpu.memory_space<vmem>>, vector<1000x256xf32>
    %get3A_47 = arith.constant 0 : index
    %get3A_48 = arith.constant 768 : index
    %get3A_49 = vector.load %arg3[%get3A_47, %get3A_48] : memref<256x2048xf32, #tpu.memory_space<vmem>>, vector<256x256xf32>
    %dot_general3A_50 = arith.constant dense<0.000000e+00> : vector<1000x256xf32>
    %dot_general3A_51 = tpu.matmul %get3A_46, %get3A_49, %dot_general3A_50 {dimension_numbers = #tpu.dot_dimension_numbers<[1], [0], [0], [1], [0, 0, 1, 1], [], []>, transpose_lhs_hint = false} : vector<1000x256xf32>, vector<256x256xf32>, vector<1000x256xf32> -> vector<1000x256xf32>
    %get3A_52 = arith.constant 0 : index
    %get3A_53 = arith.constant 3 : index
    %get3A_54 = vector.load %arg2[%get3A_52, %get3A_53] : memref<1000x8xf32, #tpu.memory_space<vmem>>, vector<1000x1xf32>
    %div3A_55 = vector.broadcast %get3A_54 : vector<1000x1xf32> to vector<1000x256xf32>
    %div3A_56 = arith.divf %dot_general3A_51, %div3A_55 : vector<1000x256xf32>
    %swap3A_57 = arith.constant 0 : index
    %swap3A_58 = arith.constant 768 : index
    %swap3A_59 = vector.load %arg4[%swap3A_57, %swap3A_58] : memref<1000x2048xf32, #tpu.memory_space<vmem>>, vector<1000x256xf32>
    tpu.vector_store %arg4[%swap3A_57, %swap3A_58], %div3A_56 {strides = array<i32>} : memref<1000x2048xf32, #tpu.memory_space<vmem>>, vector<1000x256xf32>,
    %get3A_60 = arith.constant 0 : index
    %get3A_61 = arith.constant 1024 : index
    %get3A_62 = vector.load %arg1[%get3A_60, %get3A_61] : memref<1000x2048xf32, #tpu.memory_space<vmem>>, vector<1000x256xf32>
    %get3A_63 = arith.constant 0 : index
    %get3A_64 = arith.constant 1024 : index
    %get3A_65 = vector.load %arg3[%get3A_63, %get3A_64] : memref<256x2048xf32, #tpu.memory_space<vmem>>, vector<256x256xf32>
    %dot_general3A_66 = arith.constant dense<0.000000e+00> : vector<1000x256xf32>
    %dot_general3A_67 = tpu.matmul %get3A_62, %get3A_65, %dot_general3A_66 {dimension_numbers = #tpu.dot_dimension_numbers<[1], [0], [0], [1], [0, 0, 1, 1], [], []>, transpose_lhs_hint = false} : vector<1000x256xf32>, vector<256x256xf32>, vector<1000x256xf32> -> vector<1000x256xf32>
    %get3A_68 = arith.constant 0 : index
    %get3A_69 = arith.constant 4 : index
    %get3A_70 = vector.load %arg2[%get3A_68, %get3A_69] : memref<1000x8xf32, #tpu.memory_space<vmem>>, vector<1000x1xf32>
    %div3A_71 = vector.broadcast %get3A_70 : vector<1000x1xf32> to vector<1000x256xf32>
    %div3A_72 = arith.divf %dot_general3A_67, %div3A_71 : vector<1000x256xf32>
    %swap3A_73 = arith.constant 0 : index
    %swap3A_74 = arith.constant 1024 : index
    %swap3A_75 = vector.load %arg4[%swap3A_73, %swap3A_74] : memref<1000x2048xf32, #tpu.memory_space<vmem>>, vector<1000x256xf32>
    tpu.vector_store %arg4[%swap3A_73, %swap3A_74], %div3A_72 {strides = array<i32>} : memref<1000x2048xf32, #tpu.memory_space<vmem>>, vector<1000x256xf32>,
    %get3A_76 = arith.constant 0 : index
    %get3A_77 = arith.constant 1280 : index
    %get3A_78 = vector.load %arg1[%get3A_76, %get3A_77] : memref<1000x2048xf32, #tpu.memory_space<vmem>>, vector<1000x256xf32>
    %get3A_79 = arith.constant 0 : index
    %get3A_80 = arith.constant 1280 : index
    %get3A_81 = vector.load %arg3[%get3A_79, %get3A_80] : memref<256x2048xf32, #tpu.memory_space<vmem>>, vector<256x256xf32>
    %dot_general3A_82 = arith.constant dense<0.000000e+00> : vector<1000x256xf32>
    %dot_general3A_83 = tpu.matmul %get3A_78, %get3A_81, %dot_general3A_82 {dimension_numbers = #tpu.dot_dimension_numbers<[1], [0], [0], [1], [0, 0, 1, 1], [], []>, transpose_lhs_hint = false} : vector<1000x256xf32>, vector<256x256xf32>, vector<1000x256xf32> -> vector<1000x256xf32>
    %get3A_84 = arith.constant 0 : index
    %get3A_85 = arith.constant 5 : index
    %get3A_86 = vector.load %arg2[%get3A_84, %get3A_85] : memref<1000x8xf32, #tpu.memory_space<vmem>>, vector<1000x1xf32>
    %div3A_87 = vector.broadcast %get3A_86 : vector<1000x1xf32> to vector<1000x256xf32>
    %div3A_88 = arith.divf %dot_general3A_83, %div3A_87 : vector<1000x256xf32>
    %swap3A_89 = arith.constant 0 : index
    %swap3A_90 = arith.constant 1280 : index
    %swap3A_91 = vector.load %arg4[%swap3A_89, %swap3A_90] : memref<1000x2048xf32, #tpu.memory_space<vmem>>, vector<1000x256xf32>
    tpu.vector_store %arg4[%swap3A_89, %swap3A_90], %div3A_88 {strides = array<i32>} : memref<1000x2048xf32, #tpu.memory_space<vmem>>, vector<1000x256xf32>,
    %get3A_92 = arith.constant 0 : index
    %get3A_93 = arith.constant 1536 : index
    %get3A_94 = vector.load %arg1[%get3A_92, %get3A_93] : memref<1000x2048xf32, #tpu.memory_space<vmem>>, vector<1000x256xf32>
    %get3A_95 = arith.constant 0 : index
    %get3A_96 = arith.constant 1536 : index
    %get3A_97 = vector.load %arg3[%get3A_95, %get3A_96] : memref<256x2048xf32, #tpu.memory_space<vmem>>, vector<256x256xf32>
    %dot_general3A_98 = arith.constant dense<0.000000e+00> : vector<1000x256xf32>
    %dot_general3A_99 = tpu.matmul %get3A_94, %get3A_97, %dot_general3A_98 {dimension_numbers = #tpu.dot_dimension_numbers<[1], [0], [0], [1], [0, 0, 1, 1], [], []>, transpose_lhs_hint = false} : vector<1000x256xf32>, vector<256x256xf32>, vector<1000x256xf32> -> vector<1000x256xf32>
    %get3A_100 = arith.constant 0 : index
    %get3A_101 = arith.constant 6 : index
    %get3A_102 = vector.load %arg2[%get3A_100, %get3A_101] : memref<1000x8xf32, #tpu.memory_space<vmem>>, vector<1000x1xf32>
    %div3A_103 = vector.broadcast %get3A_102 : vector<1000x1xf32> to vector<1000x256xf32>
    %div3A_104 = arith.divf %dot_general3A_99, %div3A_103 : vector<1000x256xf32>
    %swap3A_105 = arith.constant 0 : index
    %swap3A_106 = arith.constant 1536 : index
    %swap3A_107 = vector.load %arg4[%swap3A_105, %swap3A_106] : memref<1000x2048xf32, #tpu.memory_space<vmem>>, vector<1000x256xf32>
    tpu.vector_store %arg4[%swap3A_105, %swap3A_106], %div3A_104 {strides = array<i32>} : memref<1000x2048xf32, #tpu.memory_space<vmem>>, vector<1000x256xf32>,
    %get3A_108 = arith.constant 0 : index
    %get3A_109 = arith.constant 1792 : index
    %get3A_110 = vector.load %arg1[%get3A_108, %get3A_109] : memref<1000x2048xf32, #tpu.memory_space<vmem>>, vector<1000x256xf32>
    %get3A_111 = arith.constant 0 : index
    %get3A_112 = arith.constant 1792 : index
    %get3A_113 = vector.load %arg3[%get3A_111, %get3A_112] : memref<256x2048xf32, #tpu.memory_space<vmem>>, vector<256x256xf32>
    %dot_general3A_114 = arith.constant dense<0.000000e+00> : vector<1000x256xf32>
    %dot_general3A_115 = tpu.matmul %get3A_110, %get3A_113, %dot_general3A_114 {dimension_numbers = #tpu.dot_dimension_numbers<[1], [0], [0], [1], [0, 0, 1, 1], [], []>, transpose_lhs_hint = false} : vector<1000x256xf32>, vector<256x256xf32>, vector<1000x256xf32> -> vector<1000x256xf32>
    %get3A_116 = arith.constant 0 : index
    %get3A_117 = arith.constant 7 : index
    %get3A_118 = vector.load %arg2[%get3A_116, %get3A_117] : memref<1000x8xf32, #tpu.memory_space<vmem>>, vector<1000x1xf32>
    %div3A_119 = vector.broadcast %get3A_118 : vector<1000x1xf32> to vector<1000x256xf32>
    %div3A_120 = arith.divf %dot_general3A_115, %div3A_119 : vector<1000x256xf32>
    %swap3A_121 = arith.constant 0 : index
    %swap3A_122 = arith.constant 1792 : index
    %swap3A_123 = vector.load %arg4[%swap3A_121, %swap3A_122] : memref<1000x2048xf32, #tpu.memory_space<vmem>>, vector<1000x256xf32>
    tpu.vector_store %arg4[%swap3A_121, %swap3A_122], %div3A_120 {strides = array<i32>} : memref<1000x2048xf32, #tpu.memory_space<vmem>>, vector<1000x256xf32>,
    return
  }
  func.func @transform_0(%arg0: i32) -> (i32, i32) {
    %c0_i32 = arith.constant 0 : i32
    %c0_i32_0 = arith.constant 0 : i32
    return %arg0, %c0_i32 : i32, i32
  }
  func.func @transform_1(%arg0: i32) -> (i32, i32) {
    %c0_i32 = arith.constant 0 : i32
    %c0_i32_0 = arith.constant 0 : i32
    return %arg0, %c0_i32 : i32, i32
  }
  func.func @transform_2(%arg0: i32) -> (i32, i32) {
    %c0_i32 = arith.constant 0 : i32
    %c0_i32_0 = arith.constant 0 : i32
    %c0_i32_1 = arith.constant 0 : i32
    return %c0_i32, %c0_i32_0 : i32, i32
  }
  func.func @transform_3(%arg0: i32) -> (i32, i32) {
    %c0_i32 = arith.constant 0 : i32
    %c0_i32_0 = arith.constant 0 : i32
    return %arg0, %c0_i32 : i32, i32
  }
}

</mosaic_0001>

<sc_bundles>
// kernel: kernel.5.cloned.1.call-start
scs
__scs_entry_jumppad:
0x0: {  	(pc) =	sbr.rel $0x88, $3  }
0x1: {  	(tag) =	ssettag $0x0;
	lr =	simm.s32 $0x1  }
0x2: {  	[smem:$0x3F9D] =	sst lr;
	_ =	strace $0xD0000000  }
0x3: {  	_ = 	snop  }
0x4: {  	_ = 	snop  }
0x5: {  	_ = 	snop  }
0x6: {  	_ = 	snop  }
0x7: {  	_ = 	snop  }
__scs_overlays_trampoline_lowered:
0x8: {  	[smem:$0x3FAC] =	sst s0  }
0x9: {  	[smem:$0x3FAD] =	sst s1  }
0xa: {  	[smem:$0x3FAE] =	sst s2  }
0xb: {  	[smem:$0x3FAF] =	sst s3  }
0xc: {  	[smem:$0x3FB0] =	sst s4  }
0xd: {  	[smem:$0x3FB1] =	sst s5  }
0xe: {  	[smem:$0x3FB2] =	sst s6  }
0xf: {  	[smem:$0x3FB3] =	sst s7  }
0x10: {  	[smem:$0x3FB4] =	sst s8  }
0x11: {  	[smem:$0x3FB5] =	sst s9;
	s0 =	simm.s32 @!p0 $0x0  }
0x12: {  	s1 =	sld [smem:$0x3F9B];
	s0 =	simm.s32 @p0 $0x1  }
0x13: {  	[smem:$0x3FB6] =	sst s0;
	s0 =	simm.s32 @!p1 $0x0  }
0x14: {  	s2 =	sld [smem:$0x3F9A];
	s0 =	simm.s32 @p1 $0x1  }
0x15: {  	[smem:$0x3FB7] =	sst s0;
	s0 =	simm.s32 @!p2 $0x0  }
0x16: {  	s3 =	sld [smem:$0x3FDB];
	s0 =	simm.s32 @p2 $0x1  }
0x17: {  	s4 =	simm.s32 $0x1BF5;
	[smem:$0x3FB9] =	sst s0  }
0x18: {  	s0 =	sld [smem:$0x3F9C];
	_ =	swait.ge [sflag:s4], $0x0  }
0x19: {  	s7 =	sld [smem:$0x3F9D]  }
0x1a: {  	s8 =	sadd.s32 $0xFFFFE003, lr  }
0x1b: {  	s9 =	sadd.s32 $0xFFFFFEF7, lr;
	s5 =	simm.s32 $0xFFFFFFFF;
	p2 =	slt.u32 s8, $0xFFFFF086  }
0x1c: {  	p1 =	slt.u32 s9, $0xF7A;
	s5 =	simm.s32 @!p2 $0x0  }
0x1d: {  	s5 =	simm.s32 @p1 $0x1;
	p0 =	seq.s32 s7, s2  }
0x1e: {  	s7 =	smul.u32 @!p0 $0xF7A, s2;
	p2 =	seq.s32 @!p0 s5, $0x0  }
0x1f: {  	s9 =	smul.u32 $0xF7A, s1;
	s8 =	simm.s32 @!p0 $0x1BF5;
	p2 =	por !p2, p0  }
0x20: {  	[sflag:s8] =	ssyncset.s32 @!p0 $0xFFFFF086;
	s6 =	sadd.s32 @!p0 s3, s7;
	s7 =	simm.s32 @!p0 $0x108  }
0x21: {  	s3 =	sadd.s32 s3, s9;
	s6 =	sadd.s32 @!p0 $0x88, s6;
	s7 =	simm.s32 @p2 $0x1082  }
0x22: {  	[simem:s7], [sflag:s8] =	dma.local @!p0 [hbm:s6], $0xF7A  }
0x23: {  	s9 =	sor.u32 $0xD0000000, s2;
	s6 =	simm.s32 $0x108;
	_ =	swait.ge @!p0 [sflag:s8], $0x0  }
0x24: {  	s3 =	sadd.s32 $0x88, s3;
	s6 =	simm.s32 @!p1 $0x1082;
	[sflag:s4] =	ssyncset.s32 $0xFFFFF086  }
0x25: {  	[simem:s6], [sflag:s4] =	dma.local [hbm:s3], $0xF7A  }
0x26: {  	[smem:$0x3F9D] =	sst s1;
	(tag) =	ssettag s2;
	_ =	strace s9  }
0x27: {  	s1 =	sld [smem:$0x3FAD]  }
0x28: {  	s2 =	sld [smem:$0x3FAE]  }
0x29: {  	s4 =	sld [smem:$0x3FB0]  }
0x2a: {  	p0 =	seq.s32 s5, $0x0;
	s5 =	sld [smem:$0x3FB1]  }
0x2b: {  	s6 =	sld [smem:$0x3FB2]  }
0x2c: {  	s7 =	sld [smem:$0x3FB3]  }
0x2d: {  	s3 =	simm.s32 $0x108;
	s8 =	sld [smem:$0x3FB4]  }
0x2e: {  	s3 =	simm.s32 @!p0 $0x1082;
	s9 =	sld [smem:$0x3FB5]  }
0x2f: {  	lr =	sadd.s32 s0, s3;
	s0 =	sld [smem:$0x3FAC]  }
0x30: {  	s3 =	sld [smem:$0x3FAF]  }
0x31: {  	[smem:$0x3FB8] =	sst s10  }
0x32: {  	s10 =	sld [smem:$0x3FB6];
	_ =	sdelay $0x3  }
0x33: {  	p0 =	seq.s32 s10, $0x1;
	s10 =	sld [smem:$0x3FB8];
	_ =	sdelay $0x3  }
0x34: {  	[smem:$0x3FB8] =	sst s10  }
0x35: {  	s10 =	sld [smem:$0x3FB7];
	_ =	sdelay $0x3  }
0x36: {  	p1 =	seq.s32 s10, $0x1;
	s10 =	sld [smem:$0x3FB8];
	_ =	sdelay $0x3  }
0x37: {  	[smem:$0x3FB8] =	sst s10  }
0x38: {  	s10 =	sld [smem:$0x3FB9]  }
0x39: {  	_ = 	snop;
	(pc) =	sbr.ind lr, $3  }
0x3a: {  	_ = 	snop  }
0x3b: {  	_ = 	snop  }
0x3c: {  	p2 =	seq.s32 s10, $0x1;
	s10 =	sld [smem:$0x3FB8]  }
0x3d: {  	_ =	shalt  }
0x3e: {  	_ =	shalt  }
0x3f: {  	_ =	shalt  }
0x40: {  	_ =	shalt  }
0x41: {  	_ =	shalt  }
0x42: {  	_ =	shalt  }
0x43: {  	_ =	shalt  }
0x44: {  	_ =	shalt  }
0x45: {  	_ =	shalt  }
0x46: {  	_ =	shalt  }
0x47: {  	_ =	shalt  }
0x48: {  	_ =	shalt  }
0x49: {  	_ =	shalt  }
0x4a: {  	_ =	shalt  }
0x4b: {  	_ =	shalt  }
0x4c: {  	_ =	shalt  }
0x4d: {  	_ =	shalt  }
0x4e: {  	_ =	shalt  }
0x4f: {  	_ =	shalt  }
0x50: {  	_ =	shalt  }
0x51: {  	_ =	shalt  }
0x52: {  	_ =	shalt  }
0x53: {  	_ =	shalt  }
0x54: {  	_ =	shalt  }
0x55: {  	_ =	shalt  }
0x56: {  	_ =	shalt  }
0x57: {  	_ =	shalt  }
0x58: {  	_ =	shalt  }
0x59: {  	_ =	shalt  }
0x5a: {  	_ =	shalt  }
0x5b: {  	_ =	shalt  }
0x5c: {  	_ =	shalt  }
0x5d: {  	_ =	shalt  }
0x5e: {  	_ =	shalt  }
0x5f: {  	_ =	shalt  }
0x60: {  	_ =	shalt  }
0x61: {  	_ =	shalt  }
0x62: {  	_ =	shalt  }
0x63: {  	_ =	shalt  }
0x64: {  	_ =	shalt  }
0x65: {  	_ =	shalt  }
0x66: {  	_ =	shalt  }
0x67: {  	_ =	shalt  }
0x68: {  	_ =	shalt  }
0x69: {  	_ =	shalt  }
0x6a: {  	_ =	shalt  }
0x6b: {  	_ =	shalt  }
0x6c: {  	_ =	shalt  }
0x6d: {  	_ =	shalt  }
0x6e: {  	_ =	shalt  }
0x6f: {  	_ =	shalt  }
0x70: {  	_ =	shalt  }
0x71: {  	_ =	shalt  }
0x72: {  	_ =	shalt  }
0x73: {  	_ =	shalt  }
0x74: {  	_ =	shalt  }
0x75: {  	_ =	shalt  }
0x76: {  	_ =	shalt  }
0x77: {  	_ =	shalt  }
0x78: {  	_ =	shalt  }
0x79: {  	_ =	shalt  }
0x7a: {  	_ =	shalt  }
0x7b: {  	_ =	shalt  }
0x7c: {  	_ =	shalt  }
0x7d: {  	_ =	shalt  }
0x7e: {  	_ =	shalt  }
0x7f: {  	_ =	shalt  }
0x80: {  	_ =	shalt  }
0x81: {  	_ =	shalt  }
0x82: {  	_ =	shalt  }
0x83: {  	_ =	shalt  }
0x84: {  	_ =	shalt  }
0x85: {  	_ =	shalt  }
0x86: {  	_ =	shalt  }
0x87: {  	_ =	shalt  }
.Lfunc_end0:
.L_simem_size_0:
called_computation.2_lowered:
.L_overlay_start_0:
0x88: {  	s2 =	sld [smem:$0x3FD9]  }
0x89: {  	s3 =	sld [smem:$0x3FFE];
	_ =	sdelay $0x1  }
0x8a: {  	s1 =	srdreg.scid  }
0x8b: {  	s0 =	sand.u32 $0x1, s1  }
0x8c: {  	s17 =	sshll.u32 s0, $0xA;
	s2 =	sadd.s32 s3, s2  }
0x8d: {  	s2 =	sadd.s32 s2, s17  }
0x8e: {  	[smem:$0x3FC4] =	sst s2  }
0x8f: {  	_ = 	snop  }
0x90: {  	s2 =	sld [smem:$0x3FD0];
	(tm) =	ssettm $0x1  }
0x91: {  	s18 =	sld [smem:$0x3FFB];
	_ =	sdelay $0x3  }
0x92: {  	_ =	strace s18  }
0x93: {  	s3 =	sld [smem:$0x3FFC];
	_ =	sdelay $0x3  }
0x94: {  	_ =	strace s3  }
0x95: {  	s3 =	sld [smem:$0x3FFD];
	_ =	sdelay $0x3  }
0x96: {  	_ =	strace s3  }
0x97: {  	_ =	strace $0x8FFFFFFF  }
0x98: {  	s19 =	sld [smem:$0x3FDB];
	_ =	sdelay $0x1  }
0x99: {  	s4 =	simm.s32 $_scs_section_size  }
0x9a: {  	s5 =	simm.s32 $_size__tile_overlayer_lowered;
	s6 =	simm.s32 $_tile_overlayer_lowered  }
0x9b: {  	s22 =	simm.s32 $0x1BFF;
	s21 =	sshll.u32 s6, $0x1;
	s3 =	sadd.s32 s4, s19  }
0x9c: {  	s7 =	simm.s32 $0x0;
	s20 =	sshll.u32 s5, $0x1;
	s5 =	sadd.s32 s21, s3  }
0x9d: {  	[timem:s7], [sflag:s22] =	dma.local [hbm:s5], s20  }
0x9e: {  	_ =	swait.ge [sflag:s22], s20  }
0x9f: {  	s4 =	ssub.s32 $0x0, s20;
	[sflag:s22] =	ssyncset.done $0x0  }
0xa0: {  	[sflag:s22] =	ssyncadd.s32 s4;
	_ =	sdelay $0x1  }
0xa1: {  	s23 =	simm.s32 $0x1B8B  }
0xa2: {  	_ =	swait.ge [sflag:s23], $0x1  }
0xa3: {  	[sflag:s23] =	ssyncset.done $0x0  }
0xa4: {  	s25 =	simm.s32 $0x1B8E;
	s24 =	sld [smem:$0x3FFE];
	[sflag:s23] =	ssyncadd.s32 $0xFFFFFFFF  }
0xa5: {  	s26 =	simm.s32 $execute0_lowered;
	[smem:$0x3FD2] =	sst s25  }
0xa6: {  	s5 =	sshll.u32 s26, $0x1;
	_ =	strace $0x80000046;
	[dreg:$0x1] =	wrdreg $0xFFFFFFFF  }
0xa7: {  	s28 =	simm.s32 $_size_execute0_lowered;
	s3 =	sadd.s32 s3, s5;
	[dreg:$0x0] =	wrdreg $0x0  }
0xa8: {  	s5 =	sshll.u32 s28, $0x1;
	[dreg:$0x2] =	wrdreg s3  }
0xa9: {  	[dreg:$0x3] =	wrdreg s5  }
0xaa: {  	[dreg:$0x4] =	wrdreg $0xC0  }
0xab: {  	_ =	task [dreg:s7], $0x5FFFF  }
0xac: {  	[dreg:$0x1] =	wrdreg $0xFFFFFFFF  }
0xad: {  	[dreg:$0x0] =	wrdreg $0x60  }
0xae: {  	[dreg:$0x2] =	wrdreg s24  }
0xaf: {  	[dreg:$0x3] =	wrdreg s2  }
0xb0: {  	[dreg:$0x4] =	wrdreg $0x9  }
0xb1: {  	_ =	task.clear_ibuf [dreg:s7], $0x5FFFF;
	_ =	strace $0x90000046  }
0xb2: {  	s29 =	simm.s32 $0x9;
	_ =	strace $0x80000048  }
0xb3: {  	_ =	swait.ge [sflag:s29], $0x1  }
0xb4: {  	[sflag:s29] =	ssyncadd.s32 $0xFFFFFFFF  }
0xb5: {  	_ =	strace $0x90000048  }
0xb6: {  	_ =	sfence  }
0xb7: {  	s30 =	sld [smem:$0x0];
	_ =	sdelay $0x2  }
0xb8: {  	s31 =	sshll.u32 s1, $0xD;
	s1 =	sshrl.u32 s1, $0x2  }
0xb9: {  	s3 =	sand.u32 $0x4000, s31;
	s1 =	sadd.s32 s1, s30  }
0xba: {  	s0 =	sor.u32 s3, s0;
	s1 =	sshll.u32 s1, $0x11  }
0xbb: {  	s0 =	sor.u32 s1, s0  }
0xbc: {  	s0 =	sadd.s32 $0x8F2B, s0  }
0xbd: {  	[sflag:s0] =	ssyncadd.remote.s32 $0x1  }
0xbe: {  	_ =	sfence.sel $0xFFFF  }
0xbf: {  	[dreg:$0x0] =	wrdreg $0xFFFFFFFF;
	(pc) =	sbr.abs _section_cstart, $3  }
0xc0: {  	[dreg:$0x1] =	wrdreg $0xFFFFFFFF  }
0xc1: {  	_ =	task.clear_ibuf [dreg:s7], $0x2FFFF;
	_ =	strace $0x9FFFFFFF  }
0xc2: {  	(tm) =	ssettm $0x7FFFFFFF  }
0xc3: {  	_ =	shalt  }
tec
execute0_lowered:
.L_overlay_start_1:
0x0: {  	(tag) =	ssettag $0x1  }
0x1: {  	s0 =	rddreg [dreg:$0x0]  }
0x2: {  	s2 =	rddreg [dreg:$0x1]  }
0x3: {  	s1 =	srdreg.scid;
	s4 =	stileid.u32  }
0x4: {  	s3 =	simm.s32 $0x0;
	s13 =	simm.s32 $0x2;
	s14 =	simm.s32 $0x80  }
0x5: {  	s15 =	simm.s32 $0x100;
	s16 =	simm.s32 $0x1;
	s17 =	simm.s32 $0x4100  }
0x6: {  	s18 =	simm.s32 $0x8100;
	s19 =	simm.s32 $0xC100;
	s20 =	simm.s32 $0xC180  }
0x7: {  	s21 =	simm.s32 $0x8;
	s23 =	simm.s32 $0xC600;
	s24 =	simm.s32 $0xCA00  }
0x8: {  	s25 =	simm.s32 $0x0;
	s1 =	sand.u32 $0x1, s1;
	s4 =	sshll.u32 s4, $0x1  }
0x9: {  	[smem:$0x7FF] =	sst s3;
	s5 =	sadd.s32 $0x31400, s0;
	s4 =	sor.u32 s1, s4  }
0xa: {  	s6 =	sadd.s32 $0xA200, s0;
	s1 =	ssub.s32 $0x2, s1;
	s4 =	smul.u32 $0x1388, s4  }
0xb: {  	s7 =	sadd.s32 $0x5200, s0;
	s8 =	sadd.s32 $0x200, s0;
	s9 =	sshrl.u32 s1, $0x1  }
0xc: {  	_ =	strace $0x80000047;
	s29 =	ssub.s32 s1, s9;
	s11 =	sadd.s32 $0x1380, s4  }
0xd: {  	s12 =	smax.u32 s29, $0x1;
	s30 =	sshrl.u32 s11, $0x3;
	s31 =	sshll.u32 s11, $0x4  }
0xe: {  	s9 =	sadd.s32 s7, s30;
	s10 =	sadd.s32 s8, s30;
	s11 =	sadd.s32 s2, s31  }
.LBB2_1:
0xf: {  	s26 =	simm.s32 $0x0  }
.LBB2_2:
0x10: {  	s0 =	sshll.u32 s26, $0x7  }
0x11: {  	s28 =	sadd.s32 s4, s0  }
0x12: {  	s0 =	sshrl.u32 s28, $0x3  }
0x13: {  	s29 =	simm.s32 $0x0;
	s1 =	sadd.s32 s7, s0  }
0x14: {  	[tilespmem:s29], [sflag:$0x2] =	stream.linear.gather [hbm4b:s1+s29], $0x80, $0x38;
	[tilespmem:$0xCE00] =	vst v63  }
0x15: {  	_ =	swait.ge [sflag:s13], $0x80  }
0x16: {  	[sflag:s13] =	ssyncset.done $0x0  }
0x17: {  	s0 =	sadd.s32 s8, s0;
	[sflag:s13] =	ssyncadd.s32 $0xFFFFFF80  }
0x18: {  	[tilespmem:s14], [sflag:$0x2] =	stream.linear.gather [hbm4b:s0+s29], $0x80, $0x38;
	[tilespmem:$0xCE00] =	vst v63  }
0x19: {  	_ =	swait.ge [sflag:s13], $0x80  }
0x1a: {  	[sflag:s13] =	ssyncset.done $0x0  }
0x1b: {  	[sflag:s13] =	ssyncadd.s32 $0xFFFFFF80  }
0x1c: {  	[tilespmem:s15], [sflag:$0x1] =	stream.indirect.gather [hbm4b:s5+s14], $0x80, s29, s14, $0xb8;
	[tilespmem:$0xCE00] =	vst v63  }
0x1d: {  	_ =	swait.ge [sflag:s16], $0x4000  }
0x1e: {  	[sflag:s16] =	ssyncset.done $0x0  }
0x1f: {  	[sflag:s16] =	ssyncadd.s32 $0xFFFFC000  }
0x20: {  	[tilespmem:s17], [sflag:$0x1] =	stream.indirect.gather [hbm4b:s6+s14], $0x80, s14, s14, $0xb8;
	[tilespmem:$0xCE00] =	vst v63  }
0x21: {  	_ =	swait.ge [sflag:s16], $0x4000  }
0x22: {  	[sflag:s16] =	ssyncset.done $0x0  }
0x23: {  	s29 =	simm.s32 $0x0;
	[sflag:s16] =	ssyncadd.s32 $0xFFFFC000  }
0x24: {  	v0 =	vld [tilespmem:s29+$0x100]  }
0x25: {  	v1 =	vld [tilespmem:s29+$0x4100];
	_ =	sdelay $0x1  }
0x26: {  	s30 =	simm.s32 $0x80  }
0x27: {  	v2 =	vld [tilespmem:s30+$0x100]  }
0x28: {  	v3 =	vld [tilespmem:s30+$0x4100]  }
0x29: {  	v0 =	vadd.f32 v1, v0;
	_ =	sdelay $0x1  }
0x2a: {  	v4 =	vmul.f32 $2.000000030e-01, v0  }
0x2b: {  	vm0 =	vgt.f32 v0, $0.0e+00  }
0x2c: {  	v2 =	vadd.f32 v3, v2;
	v0 =	vsel vm0, v0, v4  }
0x2d: {  	s31 =	simm.s32 $0x100;
	v0 =	vsub.f32 $0.0e+00, v0  }
0x2e: {  	v1 =	vld [tilespmem:s31+$0x100];
	v5 =	vmul.f32 $2.000000030e-01, v2  }
0x2f: {  	v3 =	vld [tilespmem:s31+$0x4100];
	vm14 =	vgt.f32 v2, $0.0e+00;
	v0 =	vmul.f32 $1.442695020e+00, v0  }
0x30: {  	v2 =	vsel vm14, v2, v5  }
0x31: {  	v2 =	vsub.f32 $0.0e+00, v2;
	(erf) = vpow2.f32 v0;
	_ =	sdelay $0x1  }
0x32: {  	s0 =	simm.s32 $0x180;
	v2 =	vmul.f32 $1.442695020e+00, v2  }
0x33: {  	v3 =	vadd.f32 v3, v1;
	v1 =	vld [tilespmem:s0+$0x4100]  }
0x34: {  	v0 =	vld [tilespmem:s0+$0x100];
	(erf) = vpow2.f32 v2  }
0x35: {  	v63 =	vmul.f32 $2.000000030e-01, v3  }
0x36: {  	vm15 =	vgt.f32 v3, $0.0e+00  }
0x37: {  	s1 =	simm.s32 $0x800;
	v2 =	vsel vm15, v3, v63  }
.LBB2_3:
0x38: {  	s22 =	sshra.s32 s1, $0x2;
	v2 =	vsub.f32 $0.0e+00, v2;
	p0 =	sne.s32 s1, $0xFE00  }
.Ltmp0:
0x39: {  	s1 =	sadd.s32 $0x200, s1;
	v3 =	vadd.f32 v1, v0;
	v0 =	vld [tilespmem:s22+$0x100];
	v4 =	vpop (erf);
	(pc) =	sbr.rel @p0 .LBB2_3-.Ltmp0, $4  }
0x3a: {  	v1 =	vld [tilespmem:s22+$0x4100];
	v2 =	vmul.f32 $1.442695020e+00, v2;
	[tilespmem:s29+$0x8100] =	vst v4;
	s29 =	smov.u32 s30;
	s30 =	smov.u32 s31;
	s31 =	smov.u32 s0  }
0x3b: {  	s0 =	smov.u32 s22;
	v4 =	vmul.f32 $2.000000030e-01, v3  }
0x3c: {  	vm0 =	vgt.f32 v3, $0.0e+00;
	(erf) = vpow2.f32 v2  }
0x3d: {  	v2 =	vsel vm0, v3, v4  }
0x3e: {  	_ = 	snop  }
0x3f: {  	v0 =	vadd.f32 v1, v0;
	_ =	sdelay $0x1  }
0x40: {  	v1 =	vmul.f32 $2.000000030e-01, v0  }
0x41: {  	vm0 =	vgt.f32 v0, $0.0e+00  }
0x42: {  	v2 =	vsub.f32 $0.0e+00, v2;
	v0 =	vsel vm0, v0, v1  }
0x43: {  	v0 =	vsub.f32 $0.0e+00, v0  }
0x44: {  	v59 =	vmul.f32 $1.442695020e+00, v2  }
0x45: {  	v0 =	vmul.f32 $1.442695020e+00, v0  }
0x46: {  	(erf) = vpow2.f32 v59  }
0x47: {  	(erf) = vpow2.f32 v0;
	_ =	sdelay $0x5  }
0x48: {  	v60 =	vpop (erf)  }
0x49: {  	[tilespmem:s29+$0x8100] =	vst v60;
	v61 =	vpop (erf)  }
0x4a: {  	s26 =	sadd.s32 $0x1, s26;
	[tilespmem:s30+$0x8100] =	vst v61;
	v62 =	vpop (erf)  }
0x4b: {  	s1 =	sshll.u32 s28, $0x4;
	p0 =	sne.s32 s26, $0x27;
	[tilespmem:s31+$0x8100] =	vst v62;
	v63 =	vpop (erf)  }
.Ltmp1:
0x4c: {  	s31 =	sadd.s32 s2, s1;
	[tilespmem:s0+$0x8100] =	vst v63;
	(pc) =	sbr.rel @p0 .LBB2_2-.Ltmp1, $4  }
0x4d: {  	[hbm4b:s31+s3] =	stream.linear.scatter [tilespmem:s18], [sflag:$0x2], $0x4000, $0x38;
	[tilespmem:$0xCE00] =	vst v63  }
0x4e: {  	_ =	swait.ge [sflag:s13], $0x4000  }
0x4f: {  	[sflag:s13] =	ssyncset.done $0x0  }
0x50: {  	[sflag:s13] =	ssyncadd.s32 $0xFFFFC000  }
0x51: {  	[tilespmem:s19], [sflag:$0x2] =	stream.linear.gather [hbm4b:s9+s3], $0x8, $0x38;
	[tilespmem:$0xCE00] =	vst v63  }
0x52: {  	_ =	swait.ge [sflag:s13], $0x8  }
0x53: {  	[sflag:s13] =	ssyncset.done $0x0  }
0x54: {  	[sflag:s13] =	ssyncadd.s32 $0xFFFFFFF8  }
0x55: {  	[tilespmem:s20], [sflag:$0x2] =	stream.linear.gather [hbm4b:s10+s3], $0x8, $0x38;
	[tilespmem:$0xCE00] =	vst v63  }
0x56: {  	_ =	swait.ge [sflag:s13], $0x8  }
0x57: {  	[sflag:s13] =	ssyncset.done $0x0  }
0x58: {  	s0 =	simm.s32 $0xC200;
	[sflag:s13] =	ssyncadd.s32 $0xFFFFFFF8  }
0x59: {  	[tilespmem:s0], [sflag:$0x1] =	stream.indirect.gather [hbm4b:s5+s21], $0x80, s19, s21, $0xb8;
	[tilespmem:$0xCE00] =	vst v63  }
0x5a: {  	_ =	swait.ge [sflag:s16], $0x400  }
0x5b: {  	[sflag:s16] =	ssyncset.done $0x0  }
0x5c: {  	[sflag:s16] =	ssyncadd.s32 $0xFFFFFC00  }
0x5d: {  	[tilespmem:s23], [sflag:$0x1] =	stream.indirect.gather [hbm4b:s6+s21], $0x80, s20, s21, $0xb8;
	[tilespmem:$0xCE00] =	vst v63  }
0x5e: {  	_ =	swait.ge [sflag:s16], $0x400  }
0x5f: {  	[sflag:s16] =	ssyncset.done $0x0  }
0x60: {  	[sflag:s16] =	ssyncadd.s32 $0xFFFFFC00  }
0x61: {  	v0 =	vld [tilespmem:$0xC200]  }
0x62: {  	v1 =	vld [tilespmem:$0xC600]  }
0x63: {  	v2 =	vld [tilespmem:$0xC280]  }
0x64: {  	v3 =	vld [tilespmem:$0xC680]  }
0x65: {  	v4 =	vld [tilespmem:$0xC300]  }
0x66: {  	v5 =	vld [tilespmem:$0xC700]  }
0x67: {  	v37 =	vld [tilespmem:$0xC380]  }
0x68: {  	v6 =	vld [tilespmem:$0xC780]  }
0x69: {  	v8 =	vld [tilespmem:$0xC400]  }
0x6a: {  	v40 =	vld [tilespmem:$0xC800]  }
0x6b: {  	v41 =	vld [tilespmem:$0xC480]  }
0x6c: {  	v9 =	vld [tilespmem:$0xC880]  }
0x6d: {  	v10 =	vld [tilespmem:$0xC500]  }
0x6e: {  	v43 =	vld [tilespmem:$0xC900];
	_ =	sdelay $0x1  }
0x6f: {  	v0 =	vadd.f32 v1, v0  }
0x70: {  	v36 =	vadd.f32 v3, v2;
	v39 =	vadd.f32 v5, v4  }
0x71: {  	v2 =	vadd.f32 v6, v37;
	v46 =	vadd.f32 v40, v8  }
0x72: {  	v5 =	vadd.f32 v9, v41;
	v48 =	vadd.f32 v43, v10;
	v38 =	vmul.f32 $2.000000030e-01, v0  }
0x73: {  	vm0 =	vgt.f32 v0, $0.0e+00;
	v7 =	vmul.f32 $2.000000030e-01, v36;
	vm9 =	vgt.f32 v36, $0.0e+00  }
0x74: {  	v45 =	vld [tilespmem:$0xC580];
	v42 =	vmul.f32 $2.000000030e-01, v39;
	vm10 =	vgt.f32 v39, $0.0e+00;
	v6 =	vmul.f32 $2.000000030e-01, v2  }
0x75: {  	v47 =	vld [tilespmem:$0xC980];
	vm11 =	vgt.f32 v2, $0.0e+00;
	v8 =	vmul.f32 $2.000000030e-01, v46;
	vm12 =	vgt.f32 v46, $0.0e+00  }
0x76: {  	v50 =	vmul.f32 $2.000000030e-01, v5;
	vm13 =	vgt.f32 v5, $0.0e+00;
	v0 =	vsel vm0, v0, v38  }
0x77: {  	v51 =	vmul.f32 $2.000000030e-01, v48;
	v1 =	vsel vm9, v36, v7;
	v0 =	vsub.f32 $0.0e+00, v0  }
0x78: {  	vm14 =	vgt.f32 v48, $0.0e+00;
	v3 =	vsel vm10, v39, v42;
	v1 =	vsub.f32 $0.0e+00, v1  }
0x79: {  	v2 =	vsel vm11, v2, v6;
	v44 =	vsub.f32 $0.0e+00, v3;
	v0 =	vmul.f32 $1.442695020e+00, v0  }
0x7a: {  	v49 =	vsel vm12, v46, v8;
	v3 =	vadd.f32 v47, v45;
	v1 =	vmul.f32 $1.442695020e+00, v1  }
0x7b: {  	v4 =	vsel vm14, v48, v51;
	(erf) = vpow2.f32 v0;
	v0 =	vmul.f32 $1.442695020e+00, v44  }
0x7c: {  	v2 =	vsub.f32 $0.0e+00, v2;
	v52 =	vmul.f32 $2.000000030e-01, v3;
	(erf) = vpow2.f32 v1  }
0x7d: {  	v1 =	vsel vm13, v5, v50;
	(erf) = vpow2.f32 v0;
	v0 =	vsub.f32 $0.0e+00, v49  }
0x7e: {  	v2 =	vmul.f32 $1.442695020e+00, v2;
	vm15 =	vgt.f32 v3, $0.0e+00;
	v1 =	vsub.f32 $0.0e+00, v1  }
0x7f: {  	v4 =	vsub.f32 $0.0e+00, v4;
	v3 =	vsel vm15, v3, v52;
	v0 =	vmul.f32 $1.442695020e+00, v0  }
0x80: {  	v53 =	vsub.f32 $0.0e+00, v3;
	(erf) = vpow2.f32 v2;
	v1 =	vmul.f32 $1.442695020e+00, v1  }
0x81: {  	v54 =	vmul.f32 $1.442695020e+00, v4;
	(erf) = vpow2.f32 v0  }
0x82: {  	v55 =	vmul.f32 $1.442695020e+00, v53;
	(erf) = vpow2.f32 v1  }
0x83: {  	(erf) = vpow2.f32 v54  }
0x84: {  	(erf) = vpow2.f32 v55;
	_ =	sdelay $0x1  }
0x85: {  	v56 =	vpop (erf)  }
0x86: {  	v57 =	vpop (erf);
	[tilespmem:$0xCA00] =	vst v56  }
0x87: {  	v58 =	vpop (erf);
	[tilespmem:$0xCA80] =	vst v57  }
0x88: {  	v59 =	vpop (erf);
	[tilespmem:$0xCB00] =	vst v58  }
0x89: {  	[tilespmem:$0xCB80] =	vst v59;
	v60 =	vpop (erf)  }
0x8a: {  	v61 =	vpop (erf);
	[tilespmem:$0xCC00] =	vst v60  }
0x8b: {  	s25 =	sadd.s32 $0x1, s25;
	v62 =	vpop (erf);
	[tilespmem:$0xCC80] =	vst v61  }
0x8c: {  	p0 =	sne.s32 s25, s12;
	[tilespmem:$0xCD00] =	vst v62;
	v63 =	vpop (erf)  }
.Ltmp2:
0x8d: {  	[tilespmem:$0xCD80] =	vst v63;
	(pc) =	sbr.rel @p0 .LBB2_1-.Ltmp2, $4  }
0x8e: {  	[hbm4b:s11+s3] =	stream.linear.scatter [tilespmem:s24], [sflag:$0x2], $0x400, $0x38;
	[tilespmem:$0xCE00] =	vst v63  }
0x8f: {  	_ =	swait.ge [sflag:s13], $0x400  }
0x90: {  	[sflag:s13] =	ssyncset.done $0x0  }
0x91: {  	[sflag:s13] =	ssyncadd.s32 $0xFFFFFC00  }
0x92: {  	_ =	sfence.sel $0x180000  }
0x93: {  	[bflag:$0x0] =	sbarrier.arrive $0xFFFF  }
0x94: {  	_ =	strace $0x90000047  }
0x95: {  	s0 =	stileid.u32;
	[bflag:$0x2] =	sbarrier.arrive $0xFFFF  }
0x96: {  	p0 =	sne.s32 s0, $0x0;
	s0 =	rddreg [dreg:$0x2]  }
0x97: {  	s0 =	sadd.s32 @!p0 $0x100000, s0  }
0x98: {  	[sflag:s0] =	ssyncadd.tile.s32 @!p0 $0x1;
	_ =	shalt  }
.Lfunc_end2:
_tile_overlayer_lowered:
.L_overlay_start_2:
0x99: {  	(tag) =	ssettag $0x2  }
0x9a: {  	s0 =	rddreg [dreg:$0x0];
	s2 =	stileid.u32  }
0x9b: {  	s1 =	rddreg [dreg:$0x1];
	p0 =	sne.s32 s2, $0x0  }
0x9c: {  	s3 =	rddreg [dreg:$0x2];
	[bflag:$0x3] =	sbarrier.arrive $0xFFFF;
	s2 =	simm.s32 @!p0 $0x1C02  }
0x9d: {  	[timem:s3], [sflag:s2] =	dma.local @!p0 [hbm:s0], s1  }
0x9e: {  	s0 =	simm.s32 @!p0 $0x2  }
0x9f: {  	_ =	swait.ge @!p0 [sflag:s0], s1  }
0xa0: {  	s1 =	ssub.s32 @!p0 $0x0, s1;
	[sflag:s0] =	ssyncset.done @!p0 $0x0  }
0xa1: {  	[sflag:s0] =	ssyncadd.s32 @!p0 s1  }
0xa2: {  	[bflag:$0x3] =	sbarrier.arrive $0xFFFF  }
0xa3: {  	_ =	shalt  }

// kernel: scatter_offload_async_start
scs
__scs_entry_jumppad:
0x0: {  	(pc) =	sbr.rel $0x88, $3  }
0x1: {  	(tag) =	ssettag $0x0;
	lr =	simm.s32 $0x1  }
0x2: {  	[smem:$0x3F9D] =	sst lr;
	_ =	strace $0xD0000000  }
0x3: {  	_ = 	snop  }
0x4: {  	_ = 	snop  }
0x5: {  	_ = 	snop  }
0x6: {  	_ = 	snop  }
0x7: {  	_ = 	snop  }
__scs_overlays_trampoline_lowered:
0x8: {  	[smem:$0x3FAC] =	sst s0  }
0x9: {  	[smem:$0x3FAD] =	sst s1  }
0xa: {  	[smem:$0x3FAE] =	sst s2  }
0xb: {  	[smem:$0x3FAF] =	sst s3  }
0xc: {  	[smem:$0x3FB0] =	sst s4  }
0xd: {  	[smem:$0x3FB1] =	sst s5  }
0xe: {  	[smem:$0x3FB2] =	sst s6  }
0xf: {  	[smem:$0x3FB3] =	sst s7  }
0x10: {  	[smem:$0x3FB4] =	sst s8  }
0x11: {  	[smem:$0x3FB5] =	sst s9;
	s0 =	simm.s32 @!p0 $0x0  }
0x12: {  	s1 =	sld [smem:$0x3F9B];
	s0 =	simm.s32 @p0 $0x1  }
0x13: {  	[smem:$0x3FB6] =	sst s0;
	s0 =	simm.s32 @!p1 $0x0  }
0x14: {  	s2 =	sld [smem:$0x3F9A];
	s0 =	simm.s32 @p1 $0x1  }
0x15: {  	[smem:$0x3FB7] =	sst s0;
	s0 =	simm.s32 @!p2 $0x0  }
0x16: {  	s3 =	sld [smem:$0x3FDB];
	s0 =	simm.s32 @p2 $0x1  }
0x17: {  	s4 =	simm.s32 $0x1BF5;
	[smem:$0x3FB9] =	sst s0  }
0x18: {  	s0 =	sld [smem:$0x3F9C];
	_ =	swait.ge [sflag:s4], $0x0  }
0x19: {  	s7 =	sld [smem:$0x3F9D]  }
0x1a: {  	s8 =	sadd.s32 $0xFFFFE003, lr  }
0x1b: {  	s9 =	sadd.s32 $0xFFFFFEF7, lr;
	s5 =	simm.s32 $0xFFFFFFFF;
	p2 =	slt.u32 s8, $0xFFFFF086  }
0x1c: {  	p1 =	slt.u32 s9, $0xF7A;
	s5 =	simm.s32 @!p2 $0x0  }
0x1d: {  	s5 =	simm.s32 @p1 $0x1;
	p0 =	seq.s32 s7, s2  }
0x1e: {  	s7 =	smul.u32 @!p0 $0xF7A, s2;
	p2 =	seq.s32 @!p0 s5, $0x0  }
0x1f: {  	s9 =	smul.u32 $0xF7A, s1;
	s8 =	simm.s32 @!p0 $0x1BF5;
	p2 =	por !p2, p0  }
0x20: {  	[sflag:s8] =	ssyncset.s32 @!p0 $0xFFFFF086;
	s6 =	sadd.s32 @!p0 s3, s7;
	s7 =	simm.s32 @!p0 $0x108  }
0x21: {  	s3 =	sadd.s32 s3, s9;
	s6 =	sadd.s32 @!p0 $0x88, s6;
	s7 =	simm.s32 @p2 $0x1082  }
0x22: {  	[simem:s7], [sflag:s8] =	dma.local @!p0 [hbm:s6], $0xF7A  }
0x23: {  	s9 =	sor.u32 $0xD0000000, s2;
	s6 =	simm.s32 $0x108;
	_ =	swait.ge @!p0 [sflag:s8], $0x0  }
0x24: {  	s3 =	sadd.s32 $0x88, s3;
	s6 =	simm.s32 @!p1 $0x1082;
	[sflag:s4] =	ssyncset.s32 $0xFFFFF086  }
0x25: {  	[simem:s6], [sflag:s4] =	dma.local [hbm:s3], $0xF7A  }
0x26: {  	[smem:$0x3F9D] =	sst s1;
	(tag) =	ssettag s2;
	_ =	strace s9  }
0x27: {  	s1 =	sld [smem:$0x3FAD]  }
0x28: {  	s2 =	sld [smem:$0x3FAE]  }
0x29: {  	s4 =	sld [smem:$0x3FB0]  }
0x2a: {  	p0 =	seq.s32 s5, $0x0;
	s5 =	sld [smem:$0x3FB1]  }
0x2b: {  	s6 =	sld [smem:$0x3FB2]  }
0x2c: {  	s7 =	sld [smem:$0x3FB3]  }
0x2d: {  	s3 =	simm.s32 $0x108;
	s8 =	sld [smem:$0x3FB4]  }
0x2e: {  	s3 =	simm.s32 @!p0 $0x1082;
	s9 =	sld [smem:$0x3FB5]  }
0x2f: {  	lr =	sadd.s32 s0, s3;
	s0 =	sld [smem:$0x3FAC]  }
0x30: {  	s3 =	sld [smem:$0x3FAF]  }
0x31: {  	[smem:$0x3FB8] =	sst s10  }
0x32: {  	s10 =	sld [smem:$0x3FB6];
	_ =	sdelay $0x3  }
0x33: {  	p0 =	seq.s32 s10, $0x1;
	s10 =	sld [smem:$0x3FB8];
	_ =	sdelay $0x3  }
0x34: {  	[smem:$0x3FB8] =	sst s10  }
0x35: {  	s10 =	sld [smem:$0x3FB7];
	_ =	sdelay $0x3  }
0x36: {  	p1 =	seq.s32 s10, $0x1;
	s10 =	sld [smem:$0x3FB8];
	_ =	sdelay $0x3  }
0x37: {  	[smem:$0x3FB8] =	sst s10  }
0x38: {  	s10 =	sld [smem:$0x3FB9]  }
0x39: {  	_ = 	snop;
	(pc) =	sbr.ind lr, $3  }
0x3a: {  	_ = 	snop  }
0x3b: {  	_ = 	snop  }
0x3c: {  	p2 =	seq.s32 s10, $0x1;
	s10 =	sld [smem:$0x3FB8]  }
0x3d: {  	_ =	shalt  }
0x3e: {  	_ =	shalt  }
0x3f: {  	_ =	shalt  }
0x40: {  	_ =	shalt  }
0x41: {  	_ =	shalt  }
0x42: {  	_ =	shalt  }
0x43: {  	_ =	shalt  }
0x44: {  	_ =	shalt  }
0x45: {  	_ =	shalt  }
0x46: {  	_ =	shalt  }
0x47: {  	_ =	shalt  }
0x48: {  	_ =	shalt  }
0x49: {  	_ =	shalt  }
0x4a: {  	_ =	shalt  }
0x4b: {  	_ =	shalt  }
0x4c: {  	_ =	shalt  }
0x4d: {  	_ =	shalt  }
0x4e: {  	_ =	shalt  }
0x4f: {  	_ =	shalt  }
0x50: {  	_ =	shalt  }
0x51: {  	_ =	shalt  }
0x52: {  	_ =	shalt  }
0x53: {  	_ =	shalt  }
0x54: {  	_ =	shalt  }
0x55: {  	_ =	shalt  }
0x56: {  	_ =	shalt  }
0x57: {  	_ =	shalt  }
0x58: {  	_ =	shalt  }
0x59: {  	_ =	shalt  }
0x5a: {  	_ =	shalt  }
0x5b: {  	_ =	shalt  }
0x5c: {  	_ =	shalt  }
0x5d: {  	_ =	shalt  }
0x5e: {  	_ =	shalt  }
0x5f: {  	_ =	shalt  }
0x60: {  	_ =	shalt  }
0x61: {  	_ =	shalt  }
0x62: {  	_ =	shalt  }
0x63: {  	_ =	shalt  }
0x64: {  	_ =	shalt  }
0x65: {  	_ =	shalt  }
0x66: {  	_ =	shalt  }
0x67: {  	_ =	shalt  }
0x68: {  	_ =	shalt  }
0x69: {  	_ =	shalt  }
0x6a: {  	_ =	shalt  }
0x6b: {  	_ =	shalt  }
0x6c: {  	_ =	shalt  }
0x6d: {  	_ =	shalt  }
0x6e: {  	_ =	shalt  }
0x6f: {  	_ =	shalt  }
0x70: {  	_ =	shalt  }
0x71: {  	_ =	shalt  }
0x72: {  	_ =	shalt  }
0x73: {  	_ =	shalt  }
0x74: {  	_ =	shalt  }
0x75: {  	_ =	shalt  }
0x76: {  	_ =	shalt  }
0x77: {  	_ =	shalt  }
0x78: {  	_ =	shalt  }
0x79: {  	_ =	shalt  }
0x7a: {  	_ =	shalt  }
0x7b: {  	_ =	shalt  }
0x7c: {  	_ =	shalt  }
0x7d: {  	_ =	shalt  }
0x7e: {  	_ =	shalt  }
0x7f: {  	_ =	shalt  }
0x80: {  	_ =	shalt  }
0x81: {  	_ =	shalt  }
0x82: {  	_ =	shalt  }
0x83: {  	_ =	shalt  }
0x84: {  	_ =	shalt  }
0x85: {  	_ =	shalt  }
0x86: {  	_ =	shalt  }
0x87: {  	_ =	shalt  }
.Lfunc_end0:
.L_simem_size_0:
called_computation_lowered:
.L_overlay_start_0:
0x88: {  	s2 =	sld [smem:$0x3FD9]  }
0x89: {  	s3 =	sld [smem:$0x3FFE];
	_ =	sdelay $0x1  }
0x8a: {  	s1 =	srdreg.scid  }
0x8b: {  	s0 =	sand.u32 $0x1, s1  }
0x8c: {  	s17 =	sshll.u32 s0, $0xA;
	s2 =	sadd.s32 s3, s2  }
0x8d: {  	s2 =	sadd.s32 s2, s17  }
0x8e: {  	[smem:$0x3FC4] =	sst s2  }
0x8f: {  	_ = 	snop  }
0x90: {  	s18 =	sld [smem:$0x3FD0];
	(tm) =	ssettm $0x1  }
0x91: {  	s19 =	sld [smem:$0x3FFB];
	_ =	sdelay $0x3  }
0x92: {  	_ =	strace s19  }
0x93: {  	s2 =	sld [smem:$0x3FFC];
	_ =	sdelay $0x3  }
0x94: {  	_ =	strace s2  }
0x95: {  	s2 =	sld [smem:$0x3FFD];
	_ =	sdelay $0x3  }
0x96: {  	_ =	strace s2  }
0x97: {  	_ =	strace $0x8FFFFFFF  }
0x98: {  	s20 =	sld [smem:$0x3FDB];
	_ =	sdelay $0x1  }
0x99: {  	s4 =	simm.s32 $_scs_section_size  }
0x9a: {  	s5 =	simm.s32 $_size__tile_overlayer_lowered;
	s6 =	simm.s32 $_tile_overlayer_lowered  }
0x9b: {  	s7 =	simm.s32 $0x1BFF;
	s21 =	sshll.u32 s6, $0x1;
	s4 =	sadd.s32 s4, s20  }
0x9c: {  	s22 =	simm.s32 $0x0;
	s5 =	sshll.u32 s5, $0x1;
	s6 =	sadd.s32 s21, s4  }
0x9d: {  	[timem:s22], [sflag:s7] =	dma.local [hbm:s6], s5  }
0x9e: {  	_ =	swait.ge [sflag:s7], s5  }
0x9f: {  	s5 =	ssub.s32 $0x0, s5;
	[sflag:s7] =	ssyncset.done $0x0  }
0xa0: {  	[sflag:s7] =	ssyncadd.s32 s5;
	_ =	sdelay $0x1  }
0xa1: {  	s23 =	simm.s32 $0x1B8B  }
0xa2: {  	_ =	swait.ge [sflag:s23], $0x1  }
0xa3: {  	[sflag:s23] =	ssyncset.done $0x0  }
0xa4: {  	[sflag:s23] =	ssyncadd.s32 $0xFFFFFFFF  }
0xa5: {  	s5 =	sld [smem:$0x0]  }
0xa6: {  	s6 =	sand.u32 $0xFFFFFFFE, s1  }
0xa7: {  	p0 =	sne.s32 s1, s6  }
0xa8: {  	s6 =	sshll.u32 @p0 s6, $0xE  }
0xa9: {  	s6 =	sadd.s32 @p0 $0x11B8D, s6;
	s7 =	sshll.u32 @p0 s5, $0x11  }
0xaa: {  	s6 =	sor.u32 @p0 s7, s6  }
0xab: {  	[sflag:s6] =	ssyncadd.remote.s32 @p0 $0x1;
	_ =	sdelay $0x1  }
0xac: {  	s6 =	simm.s32 @p0 $0x1B8D  }
0xad: {  	_ =	swait.eq @p0 [sflag:s6], $0x1  }
0xae: {  	[sflag:s6] =	ssyncadd.s32 @p0 $0xFFFFFFFF  }
0xaf: {  	s7 =	sshll.u32 @!p0 s1, $0xE  }
0xb0: {  	s7 =	sor.u32 @!p0 $0x4000, s7;
	s6 =	simm.s32 @!p0 $0x1B8D  }
0xb1: {  	s8 =	sshll.u32 @!p0 s5, $0x11;
	s7 =	sadd.s32 @!p0 $0x11B8D, s7;
	_ =	swait.eq @!p0 [sflag:s6], $0x1  }
0xb2: {  	[sflag:s6] =	ssyncadd.s32 @!p0 $0xFFFFFFFF;
	s6 =	sor.u32 @!p0 s8, s7  }
0xb3: {  	s25 =	simm.s32 $0x1B8E;
	s24 =	sld [smem:$0x3FFE];
	[sflag:s6] =	ssyncadd.remote.s32 @!p0 $0x1  }
0xb4: {  	s26 =	simm.s32 $execute0_lowered;
	[smem:$0x3FD2] =	sst s25  }
0xb5: {  	s7 =	sshll.u32 s26, $0x1;
	_ =	strace $0x8000004C;
	[dreg:$0x1] =	wrdreg $0xFFFFFFFF  }
0xb6: {  	s28 =	simm.s32 $_size_execute0_lowered;
	s4 =	sadd.s32 s4, s7;
	[dreg:$0x0] =	wrdreg $0x0  }
0xb7: {  	s7 =	sshll.u32 s28, $0x1;
	[dreg:$0x2] =	wrdreg s4  }
0xb8: {  	[dreg:$0x3] =	wrdreg s7  }
0xb9: {  	[dreg:$0x4] =	wrdreg $0xC0  }
0xba: {  	_ =	task [dreg:s22], $0x5FFFF  }
0xbb: {  	[dreg:$0x1] =	wrdreg $0xFFFFFFFF  }
0xbc: {  	[dreg:$0x0] =	wrdreg $0x60  }
0xbd: {  	[dreg:$0x2] =	wrdreg s24  }
0xbe: {  	[dreg:$0x3] =	wrdreg s18  }
0xbf: {  	[dreg:$0x4] =	wrdreg s1  }
0xc0: {  	[dreg:$0x5] =	wrdreg s5  }
0xc1: {  	[dreg:$0x6] =	wrdreg $0x9  }
0xc2: {  	_ =	task.clear_ibuf [dreg:s22], $0x7FFFF;
	_ =	strace $0x9000004C  }
0xc3: {  	s29 =	simm.s32 $0x9;
	_ =	strace $0x8000004E  }
0xc4: {  	_ =	swait.ge [sflag:s29], $0x1  }
0xc5: {  	[sflag:s29] =	ssyncadd.s32 $0xFFFFFFFF  }
0xc6: {  	_ =	strace $0x9000004E  }
0xc7: {  	_ =	sfence  }
0xc8: {  	s30 =	sld [smem:$0x0];
	_ =	sdelay $0x2  }
0xc9: {  	s31 =	sshll.u32 s1, $0xD;
	s1 =	sshrl.u32 s1, $0x2  }
0xca: {  	s4 =	sand.u32 $0x4000, s31;
	s1 =	sadd.s32 s1, s30  }
0xcb: {  	s0 =	sor.u32 s4, s0;
	s1 =	sshll.u32 s1, $0x11  }
0xcc: {  	s0 =	sor.u32 s1, s0  }
0xcd: {  	s0 =	sadd.s32 $0x8F2B, s0  }
0xce: {  	[sflag:s0] =	ssyncadd.remote.s32 $0x1  }
0xcf: {  	_ =	sfence.sel $0xFFFF  }
0xd0: {  	[dreg:$0x0] =	wrdreg $0xFFFFFFFF;
	(pc) =	sbr.abs _section_cstart, $3  }
0xd1: {  	[dreg:$0x1] =	wrdreg $0xFFFFFFFF  }
0xd2: {  	_ =	task.clear_ibuf [dreg:s22], $0x2FFFF;
	_ =	strace $0x9FFFFFFF  }
0xd3: {  	(tm) =	ssettm $0x7FFFFFFF  }
tec
execute0_lowered:
.L_overlay_start_1:
0x0: {  	(tag) =	ssettag $0x1  }
0x1: {  	s12 =	rddreg [dreg:$0x0]  }
0x2: {  	s4 =	rddreg [dreg:$0x1]  }
0x3: {  	s2 =	rddreg [dreg:$0x2];
	_ =	strace $0x8000004D;
	s13 =	simm.s32 $0x1  }
0x4: {  	v0 =	vimm.s32 $0x0;
	[sflag:s13] =	ssyncpa.u1 $0x0  }
0x5: {  	[tilespmem:$0x28] =	vst v0  }
0x6: {  	[tilespmem:$0x38] =	vst v0  }
0x7: {  	[tilespmem:$0x48] =	vst v0  }
0x8: {  	[tilespmem:$0x58] =	vst v0  }
0x9: {  	[tilespmem:$0x68] =	vst v0  }
0xa: {  	[tilespmem:$0x78] =	vst v0  }
0xb: {  	[tilespmem:$0x88] =	vst v0  }
0xc: {  	[tilespmem:$0x98] =	vst v0  }
0xd: {  	[tilespmem:$0xA8] =	vst v0  }
0xe: {  	[tilespmem:$0xB8] =	vst v0  }
0xf: {  	[tilespmem:$0xC8] =	vst v0  }
0x10: {  	[tilespmem:$0xD8] =	vst v0  }
0x11: {  	[tilespmem:$0xE8] =	vst v0  }
0x12: {  	[tilespmem:$0xF8] =	vst v0  }
0x13: {  	[tilespmem:$0x108] =	vst v0  }
0x14: {  	[tilespmem:$0x118] =	vst v0  }
0x15: {  	[tilespmem:$0x128] =	vst v0  }
0x16: {  	[tilespmem:$0x138] =	vst v0  }
0x17: {  	[tilespmem:$0x148] =	vst v0  }
0x18: {  	[tilespmem:$0x158] =	vst v0  }
0x19: {  	[tilespmem:$0x168] =	vst v0  }
0x1a: {  	[tilespmem:$0x178] =	vst v0  }
0x1b: {  	[tilespmem:$0x188] =	vst v0  }
0x1c: {  	[tilespmem:$0x198] =	vst v0  }
0x1d: {  	[tilespmem:$0x1A8] =	vst v0  }
0x1e: {  	[tilespmem:$0x1B8] =	vst v0  }
0x1f: {  	[tilespmem:$0x1C8] =	vst v0  }
0x20: {  	[tilespmem:$0x1D8] =	vst v0  }
0x21: {  	[tilespmem:$0x1E8] =	vst v0  }
0x22: {  	[tilespmem:$0x1F8] =	vst v0  }
0x23: {  	[tilespmem:$0x208] =	vst v0  }
0x24: {  	[tilespmem:$0x218] =	vst v0  }
0x25: {  	[tilespmem:$0x228] =	vst v0  }
0x26: {  	[tilespmem:$0x238] =	vst v0  }
0x27: {  	[tilespmem:$0x248] =	vst v0  }
0x28: {  	[tilespmem:$0x258] =	vst v0  }
0x29: {  	[tilespmem:$0x268] =	vst v0  }
0x2a: {  	[tilespmem:$0x278] =	vst v0  }
0x2b: {  	[tilespmem:$0x288] =	vst v0  }
0x2c: {  	[tilespmem:$0x298] =	vst v0  }
0x2d: {  	[tilespmem:$0x2A8] =	vst v0  }
0x2e: {  	[tilespmem:$0x2B8] =	vst v0  }
0x2f: {  	[tilespmem:$0x2C8] =	vst v0  }
0x30: {  	[tilespmem:$0x2D8] =	vst v0  }
0x31: {  	[tilespmem:$0x2E8] =	vst v0  }
0x32: {  	[tilespmem:$0x2F8] =	vst v0  }
0x33: {  	[tilespmem:$0x308] =	vst v0  }
0x34: {  	[tilespmem:$0x318] =	vst v0  }
0x35: {  	[tilespmem:$0x328] =	vst v0  }
0x36: {  	[tilespmem:$0x338] =	vst v0  }
0x37: {  	[tilespmem:$0x348] =	vst v0  }
0x38: {  	[tilespmem:$0x358] =	vst v0  }
0x39: {  	[tilespmem:$0x368] =	vst v0  }
0x3a: {  	[tilespmem:$0x378] =	vst v0  }
0x3b: {  	[tilespmem:$0x388] =	vst v0  }
0x3c: {  	[tilespmem:$0x398] =	vst v0  }
0x3d: {  	[tilespmem:$0x3A8] =	vst v0  }
0x3e: {  	[tilespmem:$0x3B8] =	vst v0  }
0x3f: {  	[tilespmem:$0x3C8] =	vst v0  }
0x40: {  	[tilespmem:$0x3D8] =	vst v0  }
0x41: {  	[tilespmem:$0x3E8] =	vst v0  }
0x42: {  	[tilespmem:$0x3F8] =	vst v0  }
0x43: {  	[tilespmem:$0x408] =	vst v0  }
0x44: {  	[tilespmem:$0x418] =	vst v0  }
0x45: {  	[tilespmem:$0x428] =	vst v0  }
0x46: {  	[tilespmem:$0x438] =	vst v0  }
0x47: {  	[tilespmem:$0x448] =	vst v0  }
0x48: {  	[tilespmem:$0x458] =	vst v0  }
0x49: {  	[tilespmem:$0x468] =	vst v0  }
0x4a: {  	[tilespmem:$0x478] =	vst v0  }
0x4b: {  	[tilespmem:$0x488] =	vst v0  }
0x4c: {  	[tilespmem:$0x498] =	vst v0  }
0x4d: {  	[tilespmem:$0x4A8] =	vst v0  }
0x4e: {  	[tilespmem:$0x4B8] =	vst v0  }
0x4f: {  	[tilespmem:$0x4C8] =	vst v0  }
0x50: {  	[tilespmem:$0x4D8] =	vst v0  }
0x51: {  	[tilespmem:$0x4E8] =	vst v0  }
0x52: {  	[tilespmem:$0x4F8] =	vst v0  }
0x53: {  	[tilespmem:$0x508] =	vst v0  }
0x54: {  	[tilespmem:$0x518] =	vst v0  }
0x55: {  	[tilespmem:$0x528] =	vst v0  }
0x56: {  	[tilespmem:$0x538] =	vst v0  }
0x57: {  	[tilespmem:$0x548] =	vst v0  }
0x58: {  	[tilespmem:$0x558] =	vst v0  }
0x59: {  	[tilespmem:$0x568] =	vst v0  }
0x5a: {  	[tilespmem:$0x578] =	vst v0  }
0x5b: {  	[tilespmem:$0x588] =	vst v0  }
0x5c: {  	[tilespmem:$0x598] =	vst v0  }
0x5d: {  	[tilespmem:$0x5A8] =	vst v0  }
0x5e: {  	[tilespmem:$0x5B8] =	vst v0  }
0x5f: {  	[tilespmem:$0x5C8] =	vst v0  }
0x60: {  	[tilespmem:$0x5D8] =	vst v0  }
0x61: {  	[tilespmem:$0x5E8] =	vst v0  }
0x62: {  	[tilespmem:$0x5F8] =	vst v0  }
0x63: {  	[tilespmem:$0x608] =	vst v0  }
0x64: {  	[tilespmem:$0x618] =	vst v0  }
0x65: {  	[tilespmem:$0x628] =	vst v0  }
0x66: {  	[tilespmem:$0x638] =	vst v0  }
0x67: {  	[tilespmem:$0x648] =	vst v0  }
0x68: {  	[tilespmem:$0x658] =	vst v0  }
0x69: {  	[tilespmem:$0x668] =	vst v0  }
0x6a: {  	[tilespmem:$0x678] =	vst v0  }
0x6b: {  	[tilespmem:$0x688] =	vst v0  }
0x6c: {  	[tilespmem:$0x698] =	vst v0  }
0x6d: {  	[tilespmem:$0x6A8] =	vst v0  }
0x6e: {  	[tilespmem:$0x6B8] =	vst v0  }
0x6f: {  	[tilespmem:$0x6C8] =	vst v0  }
0x70: {  	[tilespmem:$0x6D8] =	vst v0  }
0x71: {  	[tilespmem:$0x6E8] =	vst v0  }
0x72: {  	[tilespmem:$0x6F8] =	vst v0  }
0x73: {  	[tilespmem:$0x708] =	vst v0  }
0x74: {  	[tilespmem:$0x718] =	vst v0  }
0x75: {  	[tilespmem:$0x728] =	vst v0  }
0x76: {  	[tilespmem:$0x738] =	vst v0  }
0x77: {  	[tilespmem:$0x748] =	vst v0  }
0x78: {  	[tilespmem:$0x758] =	vst v0  }
0x79: {  	[tilespmem:$0x768] =	vst v0  }
0x7a: {  	[tilespmem:$0x778] =	vst v0  }
0x7b: {  	[tilespmem:$0x788] =	vst v0  }
0x7c: {  	[tilespmem:$0x798] =	vst v0  }
0x7d: {  	[tilespmem:$0x7A8] =	vst v0  }
0x7e: {  	[tilespmem:$0x7B8] =	vst v0  }
0x7f: {  	[tilespmem:$0x7C8] =	vst v0  }
0x80: {  	[tilespmem:$0x7D8] =	vst v0  }
0x81: {  	[tilespmem:$0x7E8] =	vst v0  }
0x82: {  	[tilespmem:$0x7F8] =	vst v0  }
0x83: {  	[tilespmem:$0x808] =	vst v0  }
0x84: {  	[tilespmem:$0x818] =	vst v0  }
0x85: {  	[tilespmem:$0x828] =	vst v0  }
0x86: {  	[tilespmem:$0x838] =	vst v0  }
0x87: {  	[tilespmem:$0x848] =	vst v0  }
0x88: {  	[tilespmem:$0x858] =	vst v0  }
0x89: {  	[tilespmem:$0x868] =	vst v0  }
0x8a: {  	[tilespmem:$0x878] =	vst v0  }
0x8b: {  	[tilespmem:$0x888] =	vst v0  }
0x8c: {  	[tilespmem:$0x898] =	vst v0  }
0x8d: {  	[tilespmem:$0x8A8] =	vst v0  }
0x8e: {  	[tilespmem:$0x8B8] =	vst v0  }
0x8f: {  	[tilespmem:$0x8C8] =	vst v0  }
0x90: {  	[tilespmem:$0x8D8] =	vst v0  }
0x91: {  	[tilespmem:$0x8E8] =	vst v0  }
0x92: {  	[tilespmem:$0x8F8] =	vst v0  }
0x93: {  	[tilespmem:$0x908] =	vst v0  }
0x94: {  	[tilespmem:$0x918] =	vst v0  }
0x95: {  	[tilespmem:$0x928] =	vst v0  }
0x96: {  	[tilespmem:$0x938] =	vst v0  }
0x97: {  	[tilespmem:$0x948] =	vst v0  }
0x98: {  	[tilespmem:$0x958] =	vst v0  }
0x99: {  	[tilespmem:$0x968] =	vst v0  }
0x9a: {  	[tilespmem:$0x978] =	vst v0  }
0x9b: {  	[tilespmem:$0x988] =	vst v0  }
0x9c: {  	[tilespmem:$0x998] =	vst v0  }
0x9d: {  	[tilespmem:$0x9A8] =	vst v0  }
0x9e: {  	[tilespmem:$0x9B8] =	vst v0  }
0x9f: {  	[tilespmem:$0x9C8] =	vst v0  }
0xa0: {  	[tilespmem:$0x9D8] =	vst v0  }
0xa1: {  	[tilespmem:$0x9E8] =	vst v0  }
0xa2: {  	[tilespmem:$0x9F8] =	vst v0  }
0xa3: {  	[tilespmem:$0xA08] =	vst v0  }
0xa4: {  	[tilespmem:$0xA18] =	vst v0  }
0xa5: {  	[tilespmem:$0xA28] =	vst v0  }
0xa6: {  	[tilespmem:$0xA38] =	vst v0  }
0xa7: {  	[tilespmem:$0xA48] =	vst v0  }
0xa8: {  	[tilespmem:$0xA58] =	vst v0  }
0xa9: {  	[tilespmem:$0xA68] =	vst v0  }
0xaa: {  	[tilespmem:$0xA78] =	vst v0  }
0xab: {  	[tilespmem:$0xA88] =	vst v0  }
0xac: {  	[tilespmem:$0xA98] =	vst v0  }
0xad: {  	[tilespmem:$0xAA8] =	vst v0  }
0xae: {  	[tilespmem:$0xAB8] =	vst v0  }
0xaf: {  	[tilespmem:$0xAC8] =	vst v0  }
0xb0: {  	[tilespmem:$0xAD8] =	vst v0  }
0xb1: {  	[tilespmem:$0xAE8] =	vst v0  }
0xb2: {  	[tilespmem:$0xAF8] =	vst v0  }
0xb3: {  	[tilespmem:$0xB08] =	vst v0  }
0xb4: {  	[tilespmem:$0xB18] =	vst v0  }
0xb5: {  	[tilespmem:$0xB28] =	vst v0  }
0xb6: {  	[tilespmem:$0xB38] =	vst v0  }
0xb7: {  	[tilespmem:$0xB48] =	vst v0  }
0xb8: {  	[tilespmem:$0xB58] =	vst v0  }
0xb9: {  	[tilespmem:$0xB68] =	vst v0  }
0xba: {  	[tilespmem:$0xB78] =	vst v0  }
0xbb: {  	[tilespmem:$0xB88] =	vst v0  }
0xbc: {  	[tilespmem:$0xB98] =	vst v0  }
0xbd: {  	[tilespmem:$0xBA8] =	vst v0  }
0xbe: {  	[tilespmem:$0xBB8] =	vst v0  }
0xbf: {  	[tilespmem:$0xBC8] =	vst v0  }
0xc0: {  	[tilespmem:$0xBD8] =	vst v0  }
0xc1: {  	[tilespmem:$0xBE8] =	vst v0  }
0xc2: {  	[tilespmem:$0xBF8] =	vst v0  }
0xc3: {  	[tilespmem:$0xC08] =	vst v0  }
0xc4: {  	[tilespmem:$0xC18] =	vst v0  }
0xc5: {  	[tilespmem:$0xC28] =	vst v0  }
0xc6: {  	[tilespmem:$0xC38] =	vst v0  }
0xc7: {  	[tilespmem:$0xC48] =	vst v0  }
0xc8: {  	[tilespmem:$0xC58] =	vst v0  }
0xc9: {  	[tilespmem:$0xC68] =	vst v0  }
0xca: {  	[tilespmem:$0xC78] =	vst v0  }
0xcb: {  	[tilespmem:$0xC88] =	vst v0  }
0xcc: {  	[tilespmem:$0xC98] =	vst v0  }
0xcd: {  	[tilespmem:$0xCA8] =	vst v0  }
0xce: {  	[tilespmem:$0xCB8] =	vst v0  }
0xcf: {  	[tilespmem:$0xCC8] =	vst v0  }
0xd0: {  	[tilespmem:$0xCD8] =	vst v0  }
0xd1: {  	[tilespmem:$0xCE8] =	vst v0  }
0xd2: {  	[tilespmem:$0xCF8] =	vst v0  }
0xd3: {  	[tilespmem:$0xD08] =	vst v0  }
0xd4: {  	[tilespmem:$0xD18] =	vst v0  }
0xd5: {  	[tilespmem:$0xD28] =	vst v0  }
0xd6: {  	[tilespmem:$0xD38] =	vst v0  }
0xd7: {  	[tilespmem:$0xD48] =	vst v0  }
0xd8: {  	[tilespmem:$0xD58] =	vst v0  }
0xd9: {  	[tilespmem:$0xD68] =	vst v0  }
0xda: {  	[tilespmem:$0xD78] =	vst v0  }
0xdb: {  	[tilespmem:$0xD88] =	vst v0  }
0xdc: {  	[tilespmem:$0xD98] =	vst v0  }
0xdd: {  	[tilespmem:$0xDA8] =	vst v0  }
0xde: {  	[tilespmem:$0xDB8] =	vst v0  }
0xdf: {  	[tilespmem:$0xDC8] =	vst v0  }
0xe0: {  	[tilespmem:$0xDD8] =	vst v0  }
0xe1: {  	[tilespmem:$0xDE8] =	vst v0  }
0xe2: {  	[tilespmem:$0xDF8] =	vst v0  }
0xe3: {  	[tilespmem:$0xE08] =	vst v0  }
0xe4: {  	[tilespmem:$0xE18] =	vst v0  }
0xe5: {  	[tilespmem:$0xE28] =	vst v0  }
0xe6: {  	[tilespmem:$0xE38] =	vst v0  }
0xe7: {  	[tilespmem:$0xE48] =	vst v0  }
0xe8: {  	[tilespmem:$0xE58] =	vst v0  }
0xe9: {  	[tilespmem:$0xE68] =	vst v0  }
0xea: {  	[tilespmem:$0xE78] =	vst v0  }
0xeb: {  	[tilespmem:$0xE88] =	vst v0  }
0xec: {  	[tilespmem:$0xE98] =	vst v0  }
0xed: {  	[tilespmem:$0xEA8] =	vst v0  }
0xee: {  	[tilespmem:$0xEB8] =	vst v0  }
0xef: {  	[tilespmem:$0xEC8] =	vst v0  }
0xf0: {  	[tilespmem:$0xED8] =	vst v0  }
0xf1: {  	[tilespmem:$0xEE8] =	vst v0  }
0xf2: {  	[tilespmem:$0xEF8] =	vst v0  }
0xf3: {  	[tilespmem:$0xF08] =	vst v0  }
0xf4: {  	[tilespmem:$0xF18] =	vst v0  }
0xf5: {  	[tilespmem:$0xF28] =	vst v0  }
0xf6: {  	[tilespmem:$0xF38] =	vst v0  }
0xf7: {  	[tilespmem:$0xF48] =	vst v0  }
0xf8: {  	[tilespmem:$0xF58] =	vst v0  }
0xf9: {  	[tilespmem:$0xF68] =	vst v0  }
0xfa: {  	[tilespmem:$0xF78] =	vst v0  }
0xfb: {  	[tilespmem:$0xF88] =	vst v0  }
0xfc: {  	[tilespmem:$0xF98] =	vst v0  }
0xfd: {  	[tilespmem:$0xFA8] =	vst v0  }
0xfe: {  	[tilespmem:$0xFB8] =	vst v0  }
0xff: {  	[tilespmem:$0xFC8] =	vst v0  }
0x100: {  	[tilespmem:$0xFD8] =	vst v0  }
0x101: {  	[tilespmem:$0xFE8] =	vst v0  }
0x102: {  	[tilespmem:$0xFF8] =	vst v0  }
0x103: {  	[tilespmem:$0x1008] =	vst v0  }
0x104: {  	[tilespmem:$0x10C8] =	vst v0  }
0x105: {  	[tilespmem:$0x1B28] =	vst v0  }
0x106: {  	[tilespmem:$0x1B18] =	vst v0  }
0x107: {  	[tilespmem:$0x1B08] =	vst v0  }
0x108: {  	[tilespmem:$0x1AF8] =	vst v0  }
0x109: {  	[tilespmem:$0x1AE8] =	vst v0  }
0x10a: {  	[tilespmem:$0x1AD8] =	vst v0  }
0x10b: {  	[tilespmem:$0x1AC8] =	vst v0  }
0x10c: {  	[tilespmem:$0x1AB8] =	vst v0  }
0x10d: {  	[tilespmem:$0x1AA8] =	vst v0  }
0x10e: {  	[tilespmem:$0x1A98] =	vst v0  }
0x10f: {  	[tilespmem:$0x1A88] =	vst v0  }
0x110: {  	[tilespmem:$0x1A78] =	vst v0  }
0x111: {  	[tilespmem:$0x1A68] =	vst v0  }
0x112: {  	[tilespmem:$0x1A58] =	vst v0  }
0x113: {  	[tilespmem:$0x1A48] =	vst v0  }
0x114: {  	[tilespmem:$0x1A38] =	vst v0  }
0x115: {  	[tilespmem:$0x1A28] =	vst v0  }
0x116: {  	[tilespmem:$0x1A18] =	vst v0  }
0x117: {  	[tilespmem:$0x1A08] =	vst v0  }
0x118: {  	[tilespmem:$0x19F8] =	vst v0  }
0x119: {  	[tilespmem:$0x19E8] =	vst v0  }
0x11a: {  	[tilespmem:$0x19D8] =	vst v0  }
0x11b: {  	[tilespmem:$0x19C8] =	vst v0  }
0x11c: {  	[tilespmem:$0x19B8] =	vst v0  }
0x11d: {  	[tilespmem:$0x19A8] =	vst v0  }
0x11e: {  	[tilespmem:$0x1998] =	vst v0  }
0x11f: {  	[tilespmem:$0x1988] =	vst v0  }
0x120: {  	[tilespmem:$0x1978] =	vst v0  }
0x121: {  	[tilespmem:$0x1968] =	vst v0  }
0x122: {  	[tilespmem:$0x1958] =	vst v0  }
0x123: {  	[tilespmem:$0x1948] =	vst v0  }
0x124: {  	[tilespmem:$0x1938] =	vst v0  }
0x125: {  	[tilespmem:$0x1928] =	vst v0  }
0x126: {  	[tilespmem:$0x1918] =	vst v0  }
0x127: {  	[tilespmem:$0x1908] =	vst v0  }
0x128: {  	[tilespmem:$0x18F8] =	vst v0  }
0x129: {  	[tilespmem:$0x18E8] =	vst v0  }
0x12a: {  	[tilespmem:$0x18D8] =	vst v0  }
0x12b: {  	[tilespmem:$0x18C8] =	vst v0  }
0x12c: {  	[tilespmem:$0x18B8] =	vst v0  }
0x12d: {  	[tilespmem:$0x18A8] =	vst v0  }
0x12e: {  	[tilespmem:$0x1898] =	vst v0  }
0x12f: {  	[tilespmem:$0x1888] =	vst v0  }
0x130: {  	[tilespmem:$0x1878] =	vst v0  }
0x131: {  	[tilespmem:$0x1868] =	vst v0  }
0x132: {  	[tilespmem:$0x1858] =	vst v0  }
0x133: {  	[tilespmem:$0x1848] =	vst v0  }
0x134: {  	[tilespmem:$0x1838] =	vst v0  }
0x135: {  	[tilespmem:$0x1828] =	vst v0  }
0x136: {  	[tilespmem:$0x1818] =	vst v0  }
0x137: {  	[tilespmem:$0x1808] =	vst v0  }
0x138: {  	[tilespmem:$0x17F8] =	vst v0  }
0x139: {  	[tilespmem:$0x17E8] =	vst v0  }
0x13a: {  	[tilespmem:$0x17D8] =	vst v0  }
0x13b: {  	[tilespmem:$0x17C8] =	vst v0  }
0x13c: {  	[tilespmem:$0x17B8] =	vst v0  }
0x13d: {  	[tilespmem:$0x17A8] =	vst v0  }
0x13e: {  	[tilespmem:$0x1798] =	vst v0  }
0x13f: {  	[tilespmem:$0x1788] =	vst v0  }
0x140: {  	[tilespmem:$0x1778] =	vst v0  }
0x141: {  	[tilespmem:$0x1768] =	vst v0  }
0x142: {  	[tilespmem:$0x1758] =	vst v0  }
0x143: {  	[tilespmem:$0x1748] =	vst v0  }
0x144: {  	[tilespmem:$0x1738] =	vst v0  }
0x145: {  	[tilespmem:$0x1728] =	vst v0  }
0x146: {  	[tilespmem:$0x1718] =	vst v0  }
0x147: {  	[tilespmem:$0x1708] =	vst v0  }
0x148: {  	[tilespmem:$0x16F8] =	vst v0  }
0x149: {  	[tilespmem:$0x16E8] =	vst v0  }
0x14a: {  	[tilespmem:$0x16D8] =	vst v0  }
0x14b: {  	[tilespmem:$0x16C8] =	vst v0  }
0x14c: {  	[tilespmem:$0x16B8] =	vst v0  }
0x14d: {  	[tilespmem:$0x16A8] =	vst v0  }
0x14e: {  	[tilespmem:$0x1698] =	vst v0  }
0x14f: {  	[tilespmem:$0x1688] =	vst v0  }
0x150: {  	[tilespmem:$0x1678] =	vst v0  }
0x151: {  	[tilespmem:$0x1668] =	vst v0  }
0x152: {  	[tilespmem:$0x1658] =	vst v0  }
0x153: {  	[tilespmem:$0x1648] =	vst v0  }
0x154: {  	[tilespmem:$0x1638] =	vst v0  }
0x155: {  	[tilespmem:$0x1628] =	vst v0  }
0x156: {  	[tilespmem:$0x1618] =	vst v0  }
0x157: {  	[tilespmem:$0x1608] =	vst v0  }
0x158: {  	[tilespmem:$0x15F8] =	vst v0  }
0x159: {  	[tilespmem:$0x15E8] =	vst v0  }
0x15a: {  	[tilespmem:$0x15D8] =	vst v0  }
0x15b: {  	[tilespmem:$0x15C8] =	vst v0  }
0x15c: {  	[tilespmem:$0x15B8] =	vst v0  }
0x15d: {  	[tilespmem:$0x15A8] =	vst v0  }
0x15e: {  	[tilespmem:$0x1598] =	vst v0  }
0x15f: {  	[tilespmem:$0x1588] =	vst v0  }
0x160: {  	[tilespmem:$0x1578] =	vst v0  }
0x161: {  	[tilespmem:$0x1568] =	vst v0  }
0x162: {  	[tilespmem:$0x1558] =	vst v0  }
0x163: {  	[tilespmem:$0x1548] =	vst v0  }
0x164: {  	[tilespmem:$0x1538] =	vst v0  }
0x165: {  	[tilespmem:$0x1528] =	vst v0  }
0x166: {  	[tilespmem:$0x1518] =	vst v0  }
0x167: {  	[tilespmem:$0x1508] =	vst v0  }
0x168: {  	[tilespmem:$0x14F8] =	vst v0  }
0x169: {  	[tilespmem:$0x14E8] =	vst v0  }
0x16a: {  	[tilespmem:$0x14D8] =	vst v0  }
0x16b: {  	[tilespmem:$0x14C8] =	vst v0  }
0x16c: {  	[tilespmem:$0x14B8] =	vst v0  }
0x16d: {  	[tilespmem:$0x14A8] =	vst v0  }
0x16e: {  	[tilespmem:$0x1498] =	vst v0  }
0x16f: {  	[tilespmem:$0x1488] =	vst v0  }
0x170: {  	[tilespmem:$0x1478] =	vst v0  }
0x171: {  	[tilespmem:$0x1468] =	vst v0  }
0x172: {  	[tilespmem:$0x1458] =	vst v0  }
0x173: {  	[tilespmem:$0x1448] =	vst v0  }
0x174: {  	[tilespmem:$0x1438] =	vst v0  }
0x175: {  	[tilespmem:$0x1428] =	vst v0  }
0x176: {  	[tilespmem:$0x1418] =	vst v0  }
0x177: {  	[tilespmem:$0x1408] =	vst v0  }
0x178: {  	[tilespmem:$0x13F8] =	vst v0  }
0x179: {  	[tilespmem:$0x13E8] =	vst v0  }
0x17a: {  	[tilespmem:$0x13D8] =	vst v0  }
0x17b: {  	[tilespmem:$0x13C8] =	vst v0  }
0x17c: {  	[tilespmem:$0x13B8] =	vst v0  }
0x17d: {  	[tilespmem:$0x13A8] =	vst v0  }
0x17e: {  	[tilespmem:$0x1398] =	vst v0  }
0x17f: {  	[tilespmem:$0x1388] =	vst v0  }
0x180: {  	[tilespmem:$0x1378] =	vst v0  }
0x181: {  	[tilespmem:$0x1368] =	vst v0  }
0x182: {  	[tilespmem:$0x1358] =	vst v0  }
0x183: {  	[tilespmem:$0x1348] =	vst v0  }
0x184: {  	[tilespmem:$0x1338] =	vst v0  }
0x185: {  	[tilespmem:$0x1328] =	vst v0  }
0x186: {  	[tilespmem:$0x1318] =	vst v0  }
0x187: {  	[tilespmem:$0x1308] =	vst v0  }
0x188: {  	[tilespmem:$0x12F8] =	vst v0  }
0x189: {  	[tilespmem:$0x12E8] =	vst v0  }
0x18a: {  	[tilespmem:$0x12D8] =	vst v0  }
0x18b: {  	[tilespmem:$0x12C8] =	vst v0  }
0x18c: {  	[tilespmem:$0x12B8] =	vst v0  }
0x18d: {  	[tilespmem:$0x12A8] =	vst v0  }
0x18e: {  	[tilespmem:$0x1298] =	vst v0  }
0x18f: {  	[tilespmem:$0x1288] =	vst v0  }
0x190: {  	[tilespmem:$0x1278] =	vst v0  }
0x191: {  	[tilespmem:$0x1268] =	vst v0  }
0x192: {  	[tilespmem:$0x1258] =	vst v0  }
0x193: {  	[tilespmem:$0x1248] =	vst v0  }
0x194: {  	[tilespmem:$0x1238] =	vst v0  }
0x195: {  	[tilespmem:$0x1228] =	vst v0  }
0x196: {  	[tilespmem:$0x1218] =	vst v0  }
0x197: {  	[tilespmem:$0x1208] =	vst v0  }
0x198: {  	[tilespmem:$0x11F8] =	vst v0  }
0x199: {  	[tilespmem:$0x11E8] =	vst v0  }
0x19a: {  	[tilespmem:$0x11D8] =	vst v0  }
0x19b: {  	[tilespmem:$0x11C8] =	vst v0  }
0x19c: {  	[tilespmem:$0x11B8] =	vst v0  }
0x19d: {  	[tilespmem:$0x11A8] =	vst v0  }
0x19e: {  	[tilespmem:$0x1198] =	vst v0  }
0x19f: {  	[tilespmem:$0x1188] =	vst v0  }
0x1a0: {  	[tilespmem:$0x1178] =	vst v0  }
0x1a1: {  	[tilespmem:$0x1168] =	vst v0  }
0x1a2: {  	[tilespmem:$0x1158] =	vst v0  }
0x1a3: {  	[tilespmem:$0x1148] =	vst v0  }
0x1a4: {  	[tilespmem:$0x1138] =	vst v0  }
0x1a5: {  	[tilespmem:$0x1128] =	vst v0  }
0x1a6: {  	[tilespmem:$0x1118] =	vst v0  }
0x1a7: {  	s5 =	stileid.u32;
	[tilespmem:$0x1108] =	vst v0  }
0x1a8: {  	s0 =	smul.u32 $0xB, s5;
	[tilespmem:$0x10F8] =	vst v0  }
0x1a9: {  	s1 =	smin.u32 s5, $0xA;
	[tilespmem:$0x10E8] =	vst v0  }
0x1aa: {  	[tilespmem:$0x10D8] =	vst v0;
	s0 =	sadd.s32 s1, s0  }
0x1ab: {  	p0 =	slt.u32 s5, $0xA;
	[tilespmem:$0x10A8] =	vst v0;
	s1 =	simm.s32 $0x1440;
	s7 =	smul.u32 $0x1B0, s0  }
0x1ac: {  	s1 =	simm.s32 @!p0 $0x1290;
	[tilespmem:$0x10B8] =	vst v0  }
0x1ad: {  	[tilespmem:$0x1098] =	vst v0;
	s0 =	sadd.s32 s1, s7  }
0x1ae: {  	[tilespmem:$0x1028] =	vst v0;
	s8 =	smin.u32 s0, $0x13880  }
0x1af: {  	s6 =	simm.s32 $0x2;
	s26 =	simm.s32 $0x9;
	[tilespmem:$0x1088] =	vst v0;
	s0 =	ssub.s32 s8, s7  }
0x1b0: {  	s29 =	simm.s32 $0xA;
	s30 =	simm.s32 $0xB;
	[tilespmem:$0x1078] =	vst v0;
	p0 =	sgt.s32 s0, $0x0  }
0x1b1: {  	s16 =	simm.s32 $0x0;
	p4 =	por $0x0, $0x0;
	[tilespmem:$0x1068] =	vst v0;
	s0 =	simm.s32 @!p0 $0x0  }
0x1b2: {  	s17 =	simm.s32 $0xC;
	s21 =	simm.s32 $0x0;
	[tilespmem:$0x1058] =	vst v0;
	s25 =	smulhi.u32 $0x4BDA12F7, s0  }
0x1b3: {  	s18 =	simm.s32 $0x0;
	s20 =	simm.s32 $0x0;
	s9 =	sand.u32 $0x1, s2;
	[tilespmem:$0x1048] =	vst v0  }
0x1b4: {  	s3 =	sadd.s32 $0xA000, s12;
	s14 =	smul.u32 $0x2710, s9;
	[tilespmem:$0x1038] =	vst v0;
	s1 =	sshrl.u32 s25, $0x7  }
0x1b5: {  	s31 =	sshll.u32 s5, $0x5;
	[tilespmem:$0x1018] =	vst v0;
	[sflag:s6] =	ssyncpa.u1 $0x0;
	v0 =	vimm.s32 $0xFFFFFFFF;
	s28 =	smul.u32 $0x1B0, s1  }
.Ltmp0:
0x1b6: {  	[dreg:$0x6] =	wrdreg s9;
	[tilespmem:$0x3648] =	vst v0;
	[sflag:s26] =	ssyncpa.u1 $0x0;
	(pc) =	sbr.rel .LBB2_1-.Ltmp0, $4  }
0x1b7: {  	[dreg:$0x5] =	wrdreg s31;
	[sflag:s29] =	ssyncpa.u1 $0x0;
	p0 =	sne.s32 s0, s28  }
0x1b8: {  	s10 =	sadd.s32 s14, s12;
	[sflag:s30] =	ssyncpa.u1 $0x0;
	s13 =	simm.s32 @!p0 $0x0  }
0x1b9: {  	s15 =	sadd.s32 $0x5000, s10;
	s19 =	smov.u32 s7;
	s13 =	sadd.s32 s13, s1  }
0x1ba: {  	v0 =	vlaneseq.u32;
	[dreg:$0x7] =	wrdreg s7;
	p0 =	por $0x1, $0x1;
	s12 =	sadd.s32 $0x1, s13  }
.LBB2_18:
0x1bb: {  	s0 =	simm.s32 $0x2  }
0x1bc: {  	_ =	swait.ge [sflag:s0], $0x0  }
0x1bd: {  	[sflag:s0] =	ssyncset.done $0x0;
	s0 =	simm.s32 $0x0  }
.LBB2_19:
0x1be: {  	_ =	swait.ge [sflag:s17], s0  }
0x1bf: {  	s31 =	ssub.s32 $0x0, s0;
	v1 =	vmov s23;
	vm0 =	veq.s32 v0, $0x0;
	[sflag:s17] =	ssyncset.done $0x0  }
0x1c0: {  	vm15 =	veq.s32 v0, $0x2;
	v1 =	vsel vm0, s28, v1;
	[sflag:s17] =	ssyncadd.s32 s31  }
0x1c1: {  	v1 =	vsel vm15, s21, v1;
	[sflag:s17] =	ssyncpa.u1 $0x1  }
0x1c2: {  	[tilespmem:$0x3648] =	vst v1  }
.LBB2_20:
0x1c3: {  	s0 =	sadd.s32 $0x1B0, s19  }
0x1c4: {  	s1 =	smov.u32 s7;
	p1 =	slt.s32 s0, s8  }
0x1c5: {  	s1 =	smov.u32 @p1 s0;
	p1 =	sne.s32 s20, s12  }
.Ltmp1:
0x1c6: {  	_ = 	snop;
	(pc) =	sbr.rel @!p1 .LBB2_21-.Ltmp1, $4  }
0x1c7: {  	_ = 	snop  }
0x1c8: {  	s21 =	smov.u32 s18  }
0x1c9: {  	s31 =	sadd.s32 $0x1, s20;
	s18 =	smov.u32 s19;
	p0 =	por !p0, !p0  }
0x1ca: {  	p4 =	por !p4, !p4;
	s20 =	smov.u32 s31;
	s19 =	smov.u32 s1  }
.LBB2_1:
0x1cb: {  	p2 =	sge.u32 s20, s13  }
0x1cc: {  	s0 =	smulhi.u32 @!p2 $0xAAAAAAAB, s20  }
0x1cd: {  	s1 =	smov.u32 s19;
	p3 =	sgt.s32 @!p2 s19, $0x136D0  }
0x1ce: {  	s2 =	sshra.s32 @!p2 s19, $0x1F;
	p3 =	por !p3, p2;
	s0 =	sshrl.u32 @!p2 s0, $0x1  }
0x1cf: {  	s2 =	sand.u32 @!p2 s2, s19;
	s1 =	simm.s32 @p3 $0x136D0;
	s0 =	smul.u32 @!p2 $0x3, s0  }
0x1d0: {  	s1 =	ssub.s32 @!p2 s1, s2  }
0x1d1: {  	s23 =	sadd.s32 $0xFFFFFFFF, s20;
	s1 =	sadd.s32 @!p2 $0xFFFEC930, s1;
	s0 =	ssub.s32 @!p2 s20, s0  }
0x1d2: {  	s2 =	sshll.u32 @!p2 s1, $0x2;
	p3 =	sgt.s32 @!p2 s1, $0x1AF;
	s0 =	smul.u32 @!p2 $0x6C0, s0  }
0x1d3: {  	s6 =	sand.u32 @!p2 $0x7, s19;
	s1 =	ssub.s32 @!p2 $0x6C0, s2;
	p3 =	por !p3, p2  }
0x1d4: {  	s2 =	sshrl.u32 @!p2 s19, $0x3;
	s1 =	sshrl.u32 @!p2 s1, $0x2;
	s0 =	sshrl.u32 @!p2 s0, $0x2  }
0x1d5: {  	s2 =	sadd.s32 @!p2 s2, s15;
	s1 =	simm.s32 @!p3 $0x0;
	s0 =	sadd.s32 @!p2 $0x3888, s0  }
0x1d6: {  	[tilespmem:s0], [sflag:$0xA] =	stream.linear.gather @!p2 [hbm4b:s2+s6], s1, $0x38;
	[tilespmem:$0x1F0F8] =	vst v63  }
0x1d7: {  	p2 =	sge.u32 s23, s13  }
0x1d8: {  	p3 =	sgt.s32 @!p2 s18, $0x136D0  }
0x1d9: {  	s0 =	smov.u32 s18;
	s1 =	sshra.s32 @!p2 s18, $0x1F;
	p3 =	por !p3, p2  }
0x1da: {  	s1 =	sand.u32 @!p2 s1, s18;
	s0 =	simm.s32 @p3 $0x136D0  }
0x1db: {  	s0 =	ssub.s32 @!p2 s0, s1  }
0x1dc: {  	s0 =	sadd.s32 @!p2 $0xFFFEC930, s0  }
0x1dd: {  	s1 =	sshll.u32 @!p2 s0, $0x2  }
0x1de: {  	p3 =	sgt.s32 @!p2 s0, $0x1AF;
	s0 =	ssub.s32 @!p2 $0x6C0, s1  }
0x1df: {  	s22 =	ssub.s32 @!p2 $0x13880, s18;
	p3 =	por !p3, p2;
	s0 =	sshrl.u32 @!p2 s0, $0x2  }
0x1e0: {  	s1 =	sand.u32 @!p2 $0x1, s23;
	s0 =	simm.s32 @!p3 $0x0;
	p3 =	slt.s32 @!p2 s22, $0x1  }
0x1e1: {  	s2 =	simm.s32 @!p2 $0xA;
	s1 =	smul.u32 @!p2 $0x6C0, s1;
	p3 =	por p2, p3  }
.Ltmp2:
0x1e2: {  	_ =	swait.ge @!p2 [sflag:s2], s0;
	(pc) =	sbr.rel @p3 .LBB2_7-.Ltmp2, $4  }
0x1e3: {  	s6 =	ssub.s32 @!p2 $0x0, s0;
	[sflag:s2] =	ssyncset.done @!p2 $0x0  }
0x1e4: {  	s1 =	sshrl.u32 @!p2 s1, $0x2;
	[sflag:s2] =	ssyncadd.s32 @!p2 s6;
	s2 =	sshrl.u32 @!p2 s18, $0x3  }
0x1e5: {  	s1 =	sadd.s32 @!p2 $0x3D98, s1;
	s6 =	sand.u32 @!p2 $0x7, s18;
	s2 =	sadd.s32 @!p2 s2, s10  }
0x1e6: {  	[tilespmem:s1], [sflag:$0xB] =	stream.linear.gather @!p2 [hbm4b:s2+s6], s0, $0x38;
	[tilespmem:$0x1F0F8] =	vst v63  }
0x1e7: {  	s0 =	smulhi.u32 $0xAAAAAAAB, s23;
	_ =	sdelay $0x1  }
0x1e8: {  	s0 =	sshrl.u32 s0, $0x1  }
0x1e9: {  	s0 =	smul.u32 $0x3, s0;
	_ =	sdelay $0x1  }
0x1ea: {  	s0 =	ssub.s32 s23, s0  }
0x1eb: {  	s1 =	simm.s32 $0x1;
	s0 =	smul.u32 $0x6C0, s0  }
.Ltmp3:
0x1ec: {  	s1 =	simm.s32 @!p0 $0x0;
	(pc) =	sbr.rel .LBB2_4-.Ltmp3, $4  }
0x1ed: {  	s1 =	smul.u32 $0x36000, s1  }
0x1ee: {  	p3 =	slt.s32 @!p2 s22, $0x1B0;
	s0 =	sshrl.u32 s0, $0x2  }
0x1ef: {  	p2 =	por !p3, p2;
	s1 =	sshrl.u32 s1, $0x2;
	s0 =	sadd.s32 $0x3888, s0  }
0x1f0: {  	s24 =	simm.s32 $0x0;
	s22 =	simm.s32 @p2 $0x1B0;
	s23 =	sadd.s32 $0x40F8, s1;
	v1 =	vmov s0  }
.LBB2_3:
0x1f1: {  	p2 =	sge.s32 s24, s22  }
.Ltmp4:
0x1f2: {  	_ = 	snop;
	(pc) =	sbr.rel @p2 .LBB2_7-.Ltmp4, $2  }
0x1f3: {  	_ =	sdelay $0x2  }
0x1f4: {  	s23 =	sadd.s32 $0x800, s23  }
.LBB2_4:
0x1f5: {  	p2 =	sle.s32 s22, s24  }
.Ltmp5:
0x1f6: {  	_ = 	snop;
	(pc) =	sbr.rel @p2 .LBB2_3-.Ltmp5, $2  }
0x1f7: {  	_ =	sdelay $0x2  }
0x1f8: {  	s0 =	smov.u32 s24;
	s24 =	sadd.s32 $0x10, s24  }
0x1f9: {  	s1 =	ssub.s32 s22, s0  }
0x1fa: {  	p2 =	slt.s32 s1, $0x10  }
0x1fb: {  	s1 =	simm.s32 @!p2 $0x10  }
0x1fc: {  	v2 =	vmov s1  }
0x1fd: {  	vm0 =	vgt.s32 v2, v0;
	_ =	sdelay $0x5  }
0x1fe: {  	v2 =	vld.idx.msk [tilespmem:v1+s0+$0x0 ss:$0x1], vm0;
	_ =	sdelay $0x2  }
0x1ff: {  	p2 =	slt.s32 s24, s22;
	s1 =	smov.u32 s22  }
0x200: {  	s2 =	smov.u32 s23;
	s25 =	simm.s32 $0x0;
	s1 =	smov.u32 @p2 s24  }
.LBB2_6:
0x201: {  	(v2sf) =	vpush v2, s25;
	_ =	sdelay $0xc  }
0x202: {  	s25 =	sadd.s32 $0x1, s25  }
0x203: {  	s31 =	sadd.s32 s25, s0  }
0x204: {  	p2 =	slt.s32 s31, s1;
	s6 =	spop (v2sf)  }
.Ltmp6:
0x205: {  	s6 =	sshll.u32 s6, $0x4;
	(pc) =	sbr.rel @p2 .LBB2_6-.Ltmp6, $4  }
0x206: {  	s6 =	sand.u32 $0x1FFFFFF0, s6  }
0x207: {  	s6 =	sadd.s32 s4, s6  }
0x208: {  	[tilespmem:s2], [sflag:$0x9] =	stream.linear.gather [hbm4b:s6+s16], $0x8, $0x38;
	[tilespmem:$0x1F0F8] =	vst v63  }
0x209: {  	s2 =	sadd.s32 $0x80, s2  }
.Ltmp7:
0x20a: {  	_ = 	snop;
	(pc) =	sbr.rel .LBB2_3-.Ltmp7, $1  }
0x20b: {  	_ =	sdelay $0x3  }
.LBB2_7:
0x20c: {  	p2 =	slt.u32 s20, $0x2  }
.Ltmp8:
0x20d: {  	_ = 	snop;
	(pc) =	sbr.rel @p2 .LBB2_20-.Ltmp8, $1  }
0x20e: {  	_ =	sdelay $0x3  }
0x20f: {  	p2 =	sgt.s32 s21, $0x136D0  }
0x210: {  	s0 =	smov.u32 s21;
	s1 =	sshra.s32 s21, $0x1F;
	s2 =	ssub.s32 $0x13880, s21  }
0x211: {  	s0 =	simm.s32 @!p2 $0x136D0;
	s1 =	sand.u32 s1, s21;
	p2 =	slt.s32 s2, $0x1B0  }
0x212: {  	s0 =	ssub.s32 s0, s1;
	s2 =	simm.s32 @!p2 $0x1B0  }
0x213: {  	s0 =	sadd.s32 $0xFFFEC930, s0;
	s24 =	sshll.u32 s2, $0x3  }
0x214: {  	s28 =	simm.s32 $0x9;
	s25 =	sshll.u32 s0, $0x2;
	s1 =	sand.u32 $0x3FFFFFF8, s24  }
0x215: {  	p2 =	sgt.s32 s0, $0x1AF;
	s26 =	ssub.s32 $0x6C0, s25;
	_ =	swait.ge [sflag:s28], s1  }
0x216: {  	s1 =	ssub.s32 $0x0, s1;
	[sflag:s28] =	ssyncset.done $0x0;
	s0 =	sshrl.u32 s26, $0x2  }
0x217: {  	s30 =	simm.s32 $0xB;
	[sflag:s28] =	ssyncadd.s32 s1;
	s0 =	simm.s32 @p2 $0x0  }
0x218: {  	_ =	swait.ge [sflag:s30], s0  }
0x219: {  	s0 =	ssub.s32 $0x0, s0;
	[sflag:s30] =	ssyncset.done $0x0  }
0x21a: {  	[sflag:s30] =	ssyncadd.s32 s0  }
0x21b: {  	v1 =	vld [tilespmem:$0x3648];
	_ =	sdelay $0x4  }
0x21c: {  	(v2sf) =	vpush v1, $0x0  }
0x21d: {  	(v2sf) =	vpush v1, $0x1  }
0x21e: {  	(v2sf) =	vpush v1, $0x2;
	_ =	sdelay $0x3  }
0x21f: {  	s0 =	sadd.s32 $0x1B0, s21  }
0x220: {  	s1 =	ssub.s32 $0x27100, s21;
	p2 =	slt.s32 s8, s0  }
0x221: {  	s0 =	smov.u32 @p2 s8;
	p2 =	sgt.s32 s1, $0x0  }
0x222: {  	s25 =	ssub.s32 s0, s21;
	s1 =	simm.s32 @!p2 $0x0  }
0x223: {  	p2 =	slt.s32 s1, s25  }
0x224: {  	s25 =	smov.u32 @p2 s1  }
0x225: {  	s24 =	simm.s32 $0x1;
	p2 =	slt.s32 s25, $0x1  }
.Ltmp9:
0x226: {  	s24 =	simm.s32 @!p4 $0x0;
	(pc) =	sbr.rel @p2 .LBB2_12-.Ltmp9, $4  }
0x227: {  	s31 =	smul.u32 $0x6C0, s24  }
0x228: {  	s26 =	spop (v2sf)  }
0x229: {  	s0 =	sshrl.u32 s31, $0x2;
	s29 =	spop (v2sf)  }
0x22a: {  	s22 =	sadd.s32 $0x3D98, s0;
	s21 =	spop (v2sf)  }
0x22b: {  	s0 =	smin.u32 s25, $0x10  }
0x22c: {  	v1 =	vmov s0  }
0x22d: {  	p3 =	sgt.s32 s25, $0x10;
	vm1 =	vgt.u32 v1, v0  }
.Ltmp10:
0x22e: {  	_ = 	snop;
	(pc) =	sbr.rel @!p3 .LBB2_11-.Ltmp10, $2  }
0x22f: {  	_ =	sdelay $0x2  }
0x230: {  	s23 =	simm.s32 $0x10;
	s28 =	sadd.s32 $0xFFFFFFF0, s25;
	s0 =	smov.u32 s22;
	vm0 =	vmmov vm1  }
.LBB2_10:
0x231: {  	s1 =	smin.u32 s28, $0x10;
	s23 =	sadd.s32 $0x10, s23;
	v1 =	vld.msk [tilespmem:s0+$0x0 ss:$0x1], vm1  }
0x232: {  	v2 =	vmov s1;
	p3 =	slt.s32 s23, s25  }
0x233: {  	vm1 =	vgt.u32 v2, v0  }
.Ltmp11:
0x234: {  	(pc) =	sbr.rel @p3 .LBB2_10-.Ltmp11, $3  }
0x235: {  	_ =	sdelay $0x1  }
0x236: {  	v1 =	vshll.u32 v1, $0x4  }
0x237: {  	s28 =	sadd.s32 $0xFFFFFFF0, s28;
	[tilespmem:s0+$0x0] =	vst.msk vm0, v1;
	s0 =	sadd.s32 $0x10, s0;
	vm0 =	vmmov vm1  }
.LBB2_11:
0x238: {  	_ =	sdelay $0x4  }
0x239: {  	v1 =	vld.msk [tilespmem:s0+$0x0 ss:$0x1], vm1;
	_ =	sdelay $0x4  }
0x23a: {  	v1 =	vshll.u32 v1, $0x4  }
0x23b: {  	[tilespmem:s0+$0x0] =	vst.msk vm0, v1  }
.LBB2_12:
0x23c: {  	s0 =	sand.u32 $0x1, s20  }
0x23d: {  	s0 =	smul.u32 $0x1B0, s0  }
0x23e: {  	p3 =	sne.s32 s29, $0xFFFFFFFF  }
0x23f: {  	v1 =	vld.msk @!p3 [tilespmem:s0+$0x3D98], $0x1;
	_ =	sdelay $0x4  }
0x240: {  	(v2sf) =	vpush @!p3 v1, $0x0;
	_ =	sdelay $0xc  }
.Ltmp12:
0x241: {  	_ = 	snop;
	(pc) =	sbr.rel @p2 .LBB2_18-.Ltmp12, $4  }
0x242: {  	_ = 	snop  }
0x243: {  	s28 =	spop @!p3 (v2sf)  }
0x244: {  	s21 =	simm.s32 @!p3 $0x0;
	s23 =	smov.u32 s28  }
0x245: {  	[sflag:s17] =	ssyncpa.u1 $0x0;
	s28 =	smov.u32 @p3 s26;
	s23 =	smov.u32 @p3 s29  }
0x246: {  	v1 =	vld.msk [tilespmem:s22+$0x0], $0x1;
	_ =	sdelay $0x4  }
0x247: {  	(v2sf) =	vpush v1, $0x0;
	_ =	sdelay $0xe  }
0x248: {  	s0 =	simm.s32 @!p4 $0x0;
	s26 =	smul.u32 $0x36000, s24;
	s31 =	spop (v2sf)  }
0x249: {  	s29 =	ssub.s32 $0x0, s25;
	s0 =	simm.s32 @p4 $0x1;
	p2 =	seq.s32 s28, s31  }
0x24a: {  	s1 =	smov.u32 s28;
	[smem:$0x7FD] =	sst s0;
	p3 =	sgt.s32 @!p2 s28, $0x0  }
0x24b: {  	s0 =	sshrl.u32 s26, $0x2;
	s26 =	sadd.s32 $0x1, s29;
	p3 =	por !p3, p2  }
0x24c: {  	s1 =	simm.s32 @p3 $0x0;
	p3 =	seq.s32 s26, $0x0  }
.Ltmp13:
0x24d: {  	_ = 	snop;
	(pc) =	sbr.rel @p3 .LBB2_15-.Ltmp13, $4  }
0x24e: {  	s7 =	smov.u32 s10;
	s25 =	simm.s32 $0x0  }
0x24f: {  	s24 =	sadd.s32 $0x40F8, s0;
	s0 =	simm.s32 @!p2 $0x1;
	s2 =	smin.u32 @!p2 s1, $0x270FF  }
0x250: {  	s30 =	sadd.s32 $0x1, s22;
	s0 =	smov.u32 @p2 s25;
	s6 =	sand.u32 @!p2 $0x3FFF8, s2  }
0x251: {  	s1 =	simm.s32 @!p2 $0x1B38;
	s2 =	sand.u32 @!p2 $0x7, s2;
	s6 =	sadd.s32 @!p2 s3, s6  }
.LBB2_14:
0x252: {  	s5 =	smov.u32 s0  }
0x253: {  	[tilespmem:s1], [sflag:$0x2] =	stream.linear.gather @!p2 [hbm4b:s6+s2], $0x8, $0x38;
	[tilespmem:$0x1F0F8] =	vst v63  }
0x254: {  	s26 =	sadd.s32 $0x1, s26;
	s2 =	smov.u32 s31;
	v1 =	vld.msk [tilespmem:s30+$0x0], $0x1  }
0x255: {  	p3 =	seq.s32 s26, $0x0;
	_ =	sdelay $0x3  }
0x256: {  	(v2sf) =	vpush v1, $0x0;
	_ =	sdelay $0xe  }
0x257: {  	s31 =	spop (v2sf)  }
0x258: {  	p2 =	seq.s32 s2, s31  }
0x259: {  	p4 =	sgt.s32 @!p2 s2, $0x0;
	s1 =	sshll.u32 @!p2 s0, $0x6;
	s0 =	sadd.s32 @!p2 $0x1, s0  }
.Ltmp14:
0x25a: {  	p4 =	por !p4, p2;
	s1 =	sshra.s32 @!p2 s1, $0x2;
	(pc) =	sbr.rel @!p3 .LBB2_14-.Ltmp14, $4  }
0x25b: {  	s0 =	smov.u32 @p2 s5;
	s2 =	simm.s32 @p4 $0x0;
	s1 =	sadd.s32 @!p2 $0x1B38, s1  }
0x25c: {  	s2 =	smin.u32 @!p2 s2, $0x270FF  }
0x25d: {  	s5 =	sand.u32 @!p2 $0x3FFF8, s2;
	s2 =	sand.u32 @!p2 $0x7, s2  }
0x25e: {  	s30 =	sadd.s32 $0x1, s30;
	s6 =	sadd.s32 @!p2 s3, s5  }
.LBB2_15:
0x25f: {  	[tilespmem:s1], [sflag:$0x2] =	stream.linear.gather @!p2 [hbm4b:s6+s2], $0x8, $0x38;
	[tilespmem:$0x1F0F8] =	vst v63  }
0x260: {  	s0 =	sshll.u32 s0, $0x3  }
0x261: {  	s31 =	simm.s32 $0x2;
	s0 =	sand.u32 $0x3FFFFFF8, s0  }
0x262: {  	_ =	swait.ge [sflag:s31], s0  }
0x263: {  	s0 =	ssub.s32 $0x0, s0;
	[sflag:s31] =	ssyncset.done $0x0  }
0x264: {  	[sflag:s31] =	ssyncadd.s32 s0  }
0x265: {  	v1 =	vld.msk [tilespmem:s22+$0x0], $0x1;
	_ =	sdelay $0x4  }
0x266: {  	(v2sf) =	vpush v1, $0x0;
	_ =	sdelay $0xe  }
0x267: {  	s26 =	spop (v2sf)  }
0x268: {  	p2 =	sne.s32 s28, s26  }
0x269: {  	p4 =	sne.s32 @p2 s28, s23  }
0x26a: {  	p3 =	por !p4, !p2  }
0x26b: {  	s0 =	simm.s32 @!p3 $0x0  }
0x26c: {  	v1 =	vld.msk @!p3 [tilespmem:s0+$0x1B38], $0xff  }
0x26d: {  	p5 =	sgt.u32 @!p3 s28, $0x270FF  }
0x26e: {  	s1 =	sshll.u32 @!p3 s21, $0x6;
	p6 =	por @p2 p5, !p4  }
0x26f: {  	s1 =	sshra.s32 @!p3 s1, $0x2;
	p1 =	por p6, !p2;
	p6 =	por p4, !p2  }
0x270: {  	s2 =	sadd.s32 @!p3 $0x28, s1;
	s5 =	sand.u32 @!p1 $0x3FFF8, s28;
	s6 =	sshll.u32 @!p6 s21, $0x6  }
0x271: {  	s28 =	sand.u32 @!p1 $0x7, s28;
	[tilespmem:s1+$0x28] =	vst.add.f32.msk @!p3 $0xff, v1;
	s1 =	sadd.s32 @!p1 s3, s5;
	s5 =	sshra.s32 @!p6 s6, $0x2  }
0x272: {  	[hbm4b:s1+s28] =	stream.linear.scatter @!p1 [tilespmem:s2], [sflag:$0xC], $0x8, $0x38;
	[tilespmem:$0x1F0F8] =	vst v63  }
0x273: {  	s0 =	rddreg [dreg:$0x5];
	s1 =	sadd.s32 @!p6 $0x28, s5;
	s2 =	simm.s32 @!p6 $0x1  }
0x274: {  	[spmem:s0] =	stream.linear.scatter @!p6 [tilespmem:s1], [sflag:$0x1], $0x8, $0x38;
	[tilespmem:$0x1F0F8] =	vst v63  }
0x275: {  	s0 =	sadd.s32 @p2 $0x1, s21;
	_ =	swait.ge @!p6 [sflag:s2], $0x8  }
0x276: {  	s1 =	sshrl.u32 @p2 s0, $0x4;
	[sflag:s2] =	ssyncset.done @!p6 $0x0  }
0x277: {  	s1 =	smulhi.u32 @p2 $0x97B425F, s1;
	[sflag:s2] =	ssyncadd.s32 @!p6 $0xFFFFFFF8  }
0x278: {  	s28 =	sadd.s32 $0x1, s29;
	v1 =	vld.msk @p2 [tilespmem:s24+$0x0], $0xff  }
0x279: {  	p1 =	por @p2 !p5, !p4;
	p4 =	seq.s32 s28, $0x0;
	s1 =	smul.u32 @p2 $0x1B0, s1  }
.Ltmp15:
0x27a: {  	p1 =	por !p1, !p2;
	s2 =	simm.s32 @!p3 $0x0;
	(pc) =	sbr.rel @p4 .LBB2_17-.Ltmp15, $4  }
0x27b: {  	s5 =	sshll.u32 @!p2 s21, $0x6;
	s2 =	simm.s32 @!p1 $0x20;
	s0 =	ssub.s32 @p2 s0, s1  }
0x27c: {  	s29 =	simm.s32 $0x0;
	s2 =	sadd.s32 @!p3 $0x0, s2;
	s6 =	sshll.u32 @p2 s0, $0x4  }
0x27d: {  	s30 =	sshra.s32 @!p2 s5, $0x2;
	s1 =	simm.s32 @p2 $0x1;
	s2 =	smov.u32 @p3 s25;
	[tilespmem:s6+$0x28] =	vst.msk @p2 $0xff, v1  }
0x27e: {  	s21 =	smov.u32 @p2 s0;
	s29 =	smov.u32 @p2 s2;
	s25 =	smov.u32 @p2 s1;
	v1 =	vld.msk @!p2 [tilespmem:s24+$0x0], $0xff  }
.LBB2_16:
0x27f: {  	_ =	sdelay $0x3  }
0x280: {  	s22 =	sadd.s32 $0x1, s22;
	[tilespmem:s30+$0x28] =	vst.add.f32.msk @!p2 $0xff, v1  }
0x281: {  	v1 =	vld.msk [tilespmem:s22+$0x0], $0x1;
	_ =	sdelay $0x4  }
0x282: {  	(v2sf) =	vpush v1, $0x0;
	_ =	sdelay $0xe  }
0x283: {  	s0 =	smov.u32 s26;
	s26 =	spop (v2sf)  }
0x284: {  	p2 =	sne.s32 s0, s26  }
0x285: {  	p5 =	sne.s32 @p2 s0, s23  }
0x286: {  	s5 =	sshll.u32 @!p2 s21, $0x6;
	p4 =	por !p5, !p2  }
0x287: {  	s30 =	sshra.s32 @!p2 s5, $0x2;
	s5 =	sshll.u32 @!p4 s25, $0x6  }
0x288: {  	s5 =	sshra.s32 @!p4 s5, $0x2  }
0x289: {  	p1 =	sgt.u32 @!p4 s0, $0x270FF;
	v1 =	vld.msk @!p4 [tilespmem:s5+$0x1B38], $0xff  }
0x28a: {  	s31 =	sshll.u32 @!p4 s21, $0x6;
	p6 =	por @p2 p1, !p5;
	p1 =	por @p2 !p1, !p5  }
0x28b: {  	s9 =	simm.s32 @!p4 $0x0;
	s31 =	sshra.s32 @!p4 s31, $0x2;
	p1 =	por !p1, !p2  }
0x28c: {  	p5 =	por p5, !p2;
	s9 =	simm.s32 @!p1 $0x20;
	p1 =	por p6, !p2  }
0x28d: {  	s5 =	sadd.s32 @!p4 $0x28, s31;
	s14 =	sshll.u32 @!p5 s21, $0x6;
	s11 =	sand.u32 @!p1 $0x3FFF8, s0  }
0x28e: {  	s14 =	sshra.s32 @!p5 s14, $0x2;
	s0 =	sand.u32 @!p1 $0x7, s0;
	s11 =	sadd.s32 @!p1 s3, s11;
	[tilespmem:s31+$0x28] =	vst.add.f32.msk @!p4 $0xff, v1  }
0x28f: {  	[hbm4b:s11+s0] =	stream.linear.scatter @!p1 [tilespmem:s5], [sflag:$0xC], $0x8, $0x38;
	[tilespmem:$0x1F0F8] =	vst v63  }
0x290: {  	s1 =	rddreg [dreg:$0x5];
	s0 =	sadd.s32 @!p5 $0x28, s14;
	s5 =	simm.s32 @!p5 $0x1  }
0x291: {  	[spmem:s1] =	stream.linear.scatter @!p5 [tilespmem:s0], [sflag:$0x1], $0x8, $0x38;
	[tilespmem:$0x1F0F8] =	vst v63  }
0x292: {  	s2 =	sadd.s32 @p2 $0x1, s21;
	_ =	swait.ge @!p5 [sflag:s5], $0x8  }
0x293: {  	s6 =	sshrl.u32 @p2 s2, $0x4;
	[sflag:s5] =	ssyncset.done @!p5 $0x0  }
0x294: {  	s24 =	sadd.s32 $0x80, s24;
	s6 =	smulhi.u32 @p2 $0x97B425F, s6;
	[sflag:s5] =	ssyncadd.s32 @!p5 $0xFFFFFFF8  }
0x295: {  	s28 =	sadd.s32 $0x1, s28;
	v1 =	vld.msk @p2 [tilespmem:s24+$0x0], $0xff  }
0x296: {  	p3 =	seq.s32 s28, $0x0;
	s6 =	smul.u32 @p2 $0x1B0, s6  }
.Ltmp16:
0x297: {  	_ = 	snop;
	(pc) =	sbr.rel @!p3 .LBB2_16-.Ltmp16, $4  }
0x298: {  	s2 =	ssub.s32 @p2 s2, s6  }
0x299: {  	s9 =	sadd.s32 @!p4 s9, s29;
	s6 =	sshll.u32 @p2 s2, $0x4  }
0x29a: {  	s10 =	sadd.s32 @p2 $0x1, s25;
	s9 =	smov.u32 @p4 s29;
	[tilespmem:s6+$0x28] =	vst.msk @p2 $0xff, v1  }
0x29b: {  	s25 =	smov.u32 @p2 s10;
	s21 =	smov.u32 @p2 s2;
	s29 =	smov.u32 @p2 s9;
	v1 =	vld.msk @!p2 [tilespmem:s24+$0x0], $0xff  }
.LBB2_17:
.Ltmp17:
0x29c: {  	_ = 	snop;
	(pc) =	sbr.rel .LBB2_19-.Ltmp17, $3  }
0x29d: {  	s1 =	sld [smem:$0x7FD];
	_ =	sdelay $0x1  }
0x29e: {  	s0 =	sshrl.u32 s29, $0x2;
	s28 =	smov.u32 s26  }
0x29f: {  	s10 =	smov.u32 s7;
	s7 =	rddreg [dreg:$0x7];
	p4 =	seq.s32 s1, $0x1;
	[tilespmem:s30+$0x28] =	vst.add.f32.msk @!p2 $0xff, v1  }
.LBB2_21:
0x2a0: {  	_ =	sfence.sel $0x180000  }
0x2a1: {  	s0 =	simm.s32 $0x9;
	[bflag:$0x0] =	sbarrier.arrive $0xFFFF  }
0x2a2: {  	s24 =	simm.s32 $0xA;
	[sflag:s0] =	ssyncpa.u1 $0x1  }
0x2a3: {  	s25 =	simm.s32 $0xB;
	[sflag:s24] =	ssyncpa.u1 $0x1  }
0x2a4: {  	s26 =	simm.s32 $0x2;
	[sflag:s25] =	ssyncpa.u1 $0x1  }
0x2a5: {  	[sflag:s26] =	ssyncpa.u1 $0x1  }
0x2a6: {  	v0 =	vld [tilespmem:$0x3648];
	_ =	sdelay $0x4  }
0x2a7: {  	(v2sf) =	vpush v0, $0x0  }
0x2a8: {  	(v2sf) =	vpush v0, $0x1;
	_ =	sdelay $0x1  }
0x2a9: {  	(v2sf) =	vpush v0, $0x2;
	_ =	sdelay $0xb  }
0x2aa: {  	s0 =	spop (v2sf)  }
0x2ab: {  	s1 =	spop (v2sf)  }
0x2ac: {  	s2 =	smov.u32 s0;
	p0 =	sne.s32 s0, s1  }
0x2ad: {  	s4 =	spop (v2sf);
	s2 =	simm.s32 @!p0 $0xFFFFFFFF  }
0x2ae: {  	v2 =	vimm.s32 $0x1;
	v3 =	vlaneseq.u32;
	p0 =	seq.s32 s4, $0xFFFFFFFF;
	v1 =	vmov s2  }
0x2af: {  	s16 =	stileid.u32;
	v0 =	vperm.xlane v0, v2;
	p1 =	sne.s32 @!p0 s0, s1;
	v1 =	vperm.xlane v1, v3  }
0x2b0: {  	vm0 =	vcmask $0x3F04;
	s6 =	simm.s32 $0x3648;
	s0 =	simm.s32 @!p0 $0x1;
	p1 =	por !p1, p0  }
0x2b1: {  	s2 =	sshll.u32 s16, $0x1;
	s1 =	sshll.u32 @!p0 s4, $0x6;
	s0 =	simm.s32 @p1 $0x0;
	v0 =	vsel vm0, v1, v0  }
0x2b2: {  	s5 =	sor.u32 $0x200, s2;
	s1 =	sshra.s32 @!p0 s1, $0x2;
	s0 =	sor.u32 @!p0 s0, s2;
	[tilespmem:$0x3648] =	vst v0  }
0x2b3: {  	[spmem:s5] =	stream.linear.scatter [tilespmem:s6], [sflag:$0x1], $0x2, $0x38;
	[tilespmem:$0x1F0F8] =	vst v63  }
0x2b4: {  	s1 =	sadd.s32 @!p0 $0x28, s1;
	s0 =	sshll.u32 @!p0 s0, $0x4  }
0x2b5: {  	[spmem:s0] =	stream.linear.scatter @!p0 [tilespmem:s1], [sflag:$0x1], $0x10, $0x38;
	[tilespmem:$0x1F0F8] =	vst v63  }
0x2b6: {  	s0 =	simm.s32 @!p0 $0x12  }
0x2b7: {  	s28 =	simm.s32 $0x1;
	s0 =	simm.s32 @p0 $0x2  }
0x2b8: {  	_ =	swait.ge [sflag:s28], s0  }
0x2b9: {  	s0 =	ssub.s32 $0x0, s0;
	[sflag:s28] =	ssyncset.done $0x0  }
0x2ba: {  	p0 =	sne.s32 s16, $0x0;
	[sflag:s28] =	ssyncadd.s32 s0  }
.Ltmp18:
0x2bb: {  	_ =	sfence.stream.spmem;
	(pc) =	sbr.rel @p0 .LBB2_38-.Ltmp18, $4  }
0x2bc: {  	s29 =	simm.s32 $0x3;
	[bflag:$0x0] =	sbarrier.arrive $0xFFFF  }
0x2bd: {  	s30 =	simm.s32 $0x4;
	[sflag:s29] =	ssyncpa.u1 $0x1  }
0x2be: {  	s31 =	simm.s32 $0x3C;
	[sflag:s30] =	ssyncpa.u1 $0x1  }
0x2bf: {  	s17 =	rddreg [dreg:$0x6];
	[sflag:s31] =	ssyncpa.u1 $0x1  }
0x2c0: {  	_ =	sfence.stream.spmem;
	s0 =	simm.s32 $0x5  }
0x2c1: {  	s1 =	simm.s32 $0x200;
	s2 =	simm.s32 $0x3658;
	[sflag:s0] =	ssyncpa.u1 $0x0  }
0x2c2: {  	[tilespmem:s2], [sflag:$0x5] =	stream.linear.gather [spmem:s1], $0x20, $0x38;
	[tilespmem:$0x1F0F8] =	vst v63  }
0x2c3: {  	s26 =	simm.s32 $0x0;
	s28 =	simm.s32 $0x3678  }
0x2c4: {  	[tilespmem:s28], [sflag:$0x5] =	stream.linear.gather [spmem:s26], $0x200, $0x38;
	[tilespmem:$0x1F0F8] =	vst v63  }
0x2c5: {  	_ =	swait.ge [sflag:s0], $0x220  }
0x2c6: {  	[sflag:s0] =	ssyncset.done $0x0  }
0x2c7: {  	s29 =	simm.s32 $0x0;
	[sflag:s0] =	ssyncadd.s32 $0xFFFFFDE0  }
0x2c8: {  	v0 =	vld.msk [tilespmem:s29+$0x3658], $0x1;
	_ =	sdelay $0x1  }
0x2c9: {  	s30 =	simm.s32 $0x1  }
0x2ca: {  	v1 =	vld.msk [tilespmem:s30+$0x3658], $0x1;
	_ =	sdelay $0x1  }
0x2cb: {  	(v2sf) =	vpush v0, $0x0;
	_ =	sdelay $0x2  }
0x2cc: {  	(v2sf) =	vpush v1, $0x0;
	_ =	sdelay $0x2  }
0x2cd: {  	s31 =	simm.s32 $0x2  }
0x2ce: {  	v0 =	vld.msk [tilespmem:s31+$0x3658], $0x1;
	_ =	sdelay $0x2  }
0x2cf: {  	s4 =	simm.s32 $0xFFFFFFFF;
	s1 =	simm.s32 $0xFFFFFFFF;
	s0 =	simm.s32 $0xC  }
.LBB2_23:
0x2d0: {  	s2 =	smov.u32 s4;
	s5 =	smov.u32 s1  }
0x2d1: {  	s1 =	sshra.s32 s0, $0x2;
	p1 =	sne.s32 s0, $0x7C;
	s0 =	sadd.s32 $0x4, s0;
	(v2sf) =	vpush v0, $0x0  }
0x2d2: {  	v0 =	vld.msk [tilespmem:s1+$0x3658], $0x1  }
.Ltmp19:
0x2d3: {  	(pc) =	sbr.rel @p1 .LBB2_23-.Ltmp19, $4  }
0x2d4: {  	s4 =	spop (v2sf)  }
0x2d5: {  	p2 =	sne.s32 s5, $0xFFFFFFFF;
	s1 =	smov.u32 s4  }
0x2d6: {  	p3 =	seq.s32 s4, $0xFFFFFFFF;
	s1 =	smov.u32 @p2 s5  }
0x2d7: {  	s4 =	smov.u32 @p3 s2;
	s1 =	smov.u32 @p3 s5  }
0x2d8: {  	(v2sf) =	vpush v0, $0x0;
	_ =	sdelay $0x8  }
0x2d9: {  	s0 =	spop (v2sf)  }
0x2da: {  	p1 =	sne.s32 s1, $0xFFFFFFFF;
	s2 =	smov.u32 s0  }
0x2db: {  	s9 =	simm.s32 $0x6;
	p2 =	seq.s32 s0, $0xFFFFFFFF;
	s2 =	smov.u32 @p1 s1  }
0x2dc: {  	s10 =	simm.s32 $0x3638;
	s2 =	smov.u32 @p2 s1;
	s1 =	spop (v2sf)  }
0x2dd: {  	s0 =	smov.u32 @p2 s4;
	p1 =	sne.s32 s2, $0xFFFFFFFF;
	s5 =	smov.u32 s1  }
.Ltmp20:
0x2de: {  	p2 =	seq.s32 s1, $0xFFFFFFFF;
	s5 =	smov.u32 @p1 s2;
	(pc) =	sbr.rel .LBB2_25-.Ltmp20, $4  }
0x2df: {  	s11 =	simm.s32 $0x0;
	s5 =	smov.u32 @p2 s2;
	s7 =	spop (v2sf)  }
0x2e0: {  	[sflag:s9] =	ssyncpa.u1 $0x0;
	p1 =	sne.s32 s5, $0xFFFFFFFF;
	s8 =	smov.u32 s7  }
0x2e1: {  	s1 =	smov.u32 @p2 s0;
	p2 =	seq.s32 s7, $0xFFFFFFFF;
	s8 =	smov.u32 @p1 s5  }
0x2e2: {  	s4 =	simm.s32 $0x0;
	s7 =	smov.u32 @p2 s1;
	s8 =	smov.u32 @p2 s5  }
.LBB2_30:
0x2e3: {  	p1 =	sgt.u32 s12, $0x270FF  }
0x2e4: {  	p2 =	seq.s32 @!p1 s12, s8  }
0x2e5: {  	p1 =	por p1, p2  }
0x2e6: {  	p2 =	sne.s32 @!p1 s12, s7  }
0x2e7: {  	p1 =	por p1, !p2  }
0x2e8: {  	s0 =	sshll.u32 @p1 s11, $0x6  }
0x2e9: {  	s0 =	sand.u32 @!p1 $0x3FFF8, s12  }
0x2ea: {  	s1 =	sand.u32 @!p1 $0x7, s12;
	s0 =	sadd.s32 @!p1 s3, s0  }
0x2eb: {  	[tilespmem:s10], [sflag:$0x6] =	stream.linear.gather @!p1 [hbm4b:s0+s1], $0x8, $0x38;
	[tilespmem:$0x1F0F8] =	vst v63  }
0x2ec: {  	_ =	swait.ge @!p1 [sflag:s9], $0x8  }
0x2ed: {  	[sflag:s9] =	ssyncset.done @!p1 $0x0  }
0x2ee: {  	[sflag:s9] =	ssyncadd.s32 @!p1 $0xFFFFFFF8  }
0x2ef: {  	v1 =	vld @!p1 [tilespmem:$0x3638];
	_ =	sdelay $0x2  }
0x2f0: {  	s0 =	sshll.u32 @!p1 s11, $0x6  }
0x2f1: {  	s1 =	sshrl.u32 @!p1 s0, $0x2  }
0x2f2: {  	[tilespmem:s1+$0x3678] =	vst.add.f32.msk @!p1 $0xffff, v1  }
0x2f3: {  	s0 =	sshrl.u32 s0, $0x2;
	[tilespmem:s4+$0x3658] =	vst.msk $0x1, v0  }
0x2f4: {  	v0 =	vld [tilespmem:s0+$0x3678];
	_ =	sdelay $0x2  }
0x2f5: {  	s31 =	sshll.u32 s4, $0x6  }
0x2f6: {  	s0 =	sshra.s32 s31, $0x2  }
0x2f7: {  	s4 =	sadd.s32 $0x1, s4;
	[tilespmem:s0+$0x3678] =	vst v0  }
.LBB2_32:
0x2f8: {  	s11 =	sadd.s32 $0x1, s11  }
0x2f9: {  	p1 =	sne.s32 s11, $0x20  }
.Ltmp21:
0x2fa: {  	_ = 	snop;
	(pc) =	sbr.rel @!p1 .LBB2_33-.Ltmp21, $1  }
0x2fb: {  	_ =	sdelay $0x3  }
.LBB2_25:
0x2fc: {  	v0 =	vld.msk [tilespmem:s11+$0x3658], $0x1;
	_ =	sdelay $0x4  }
0x2fd: {  	(v2sf) =	vpush v0, $0x0;
	_ =	sdelay $0xe  }
0x2fe: {  	s12 =	spop (v2sf)  }
0x2ff: {  	p1 =	seq.s32 s12, $0xFFFFFFFF  }
.Ltmp22:
0x300: {  	_ = 	snop;
	(pc) =	sbr.rel @p1 .LBB2_32-.Ltmp22, $1  }
0x301: {  	_ =	sdelay $0x3  }
0x302: {  	p1 =	slt.s32 s4, $0x1  }
.Ltmp23:
0x303: {  	_ = 	snop;
	(pc) =	sbr.rel @p1 .LBB2_30-.Ltmp23, $1  }
0x304: {  	_ =	sdelay $0x3  }
0x305: {  	s13 =	simm.s32 $0x3658;
	p1 =	por $0x0, $0x0  }
0x306: {  	v1 =	vld.msk @!p1 [tilespmem:s13+$0x0], $0x1;
	_ =	sdelay $0x4  }
0x307: {  	(v2sf) =	vpush @!p1 v1, $0x0;
	_ =	sdelay $0xd  }
0x308: {  	p3 =	sne.s32 s4, $0x1  }
.Ltmp24:
0x309: {  	s0 =	spop @!p1 (v2sf);
	(pc) =	sbr.rel @!p3 .LBB2_29-.Ltmp24, $4  }
0x30a: {  	p2 =	seq.s32 @!p1 s12, s0  }
0x30b: {  	s14 =	simm.s32 $0x0;
	p2 =	por !p2, p1  }
0x30c: {  	s0 =	simm.s32 $0xFFFFFFFF;
	s14 =	simm.s32 @p2 $0xFFFFFFFF  }
0x30d: {  	s15 =	simm.s32 $0x1;
	s14 =	smov.u32 @p1 s0  }
.LBB2_28:
0x30e: {  	s0 =	smov.u32 s14;
	p1 =	sne.s32 s14, $0xFFFFFFFF  }
0x30f: {  	s13 =	sadd.s32 $0x1, s13;
	s14 =	smov.u32 s15;
	s15 =	sadd.s32 $0x1, s15  }
0x310: {  	p2 =	sne.s32 s4, s15;
	v1 =	vld.msk @!p1 [tilespmem:s13+$0x0], $0x1;
	_ =	sdelay $0x4  }
0x311: {  	(v2sf) =	vpush @!p1 v1, $0x0;
	_ =	sdelay $0xe  }
.Ltmp25:
0x312: {  	s1 =	spop @!p1 (v2sf);
	(pc) =	sbr.rel @p2 .LBB2_28-.Ltmp25, $4  }
0x313: {  	p3 =	seq.s32 @!p1 s12, s1  }
0x314: {  	p3 =	por !p3, p1  }
0x315: {  	s14 =	simm.s32 @p3 $0xFFFFFFFF  }
0x316: {  	s14 =	smov.u32 @p1 s0  }
.LBB2_29:
0x317: {  	p1 =	sne.s32 s14, $0xFFFFFFFF  }
.Ltmp26:
0x318: {  	_ = 	snop;
	(pc) =	sbr.rel @!p1 .LBB2_30-.Ltmp26, $1  }
0x319: {  	_ =	sdelay $0x3  }
0x31a: {  	s0 =	sshll.u32 s11, $0x4  }
0x31b: {  	s0 =	sand.u32 $0x3FFFFFF0, s0  }
0x31c: {  	v0 =	vld [tilespmem:s0+$0x3678]  }
.Ltmp27:
0x31d: {  	_ = 	snop;
	(pc) =	sbr.rel .LBB2_32-.Ltmp27, $4  }
0x31e: {  	_ = 	snop  }
0x31f: {  	s31 =	sshll.u32 s14, $0x6  }
0x320: {  	s0 =	sshra.s32 s31, $0x2  }
0x321: {  	[tilespmem:s0+$0x3678] =	vst.add.f32.msk $0xffff, v0  }
.LBB2_33:
0x322: {  	s0 =	simm.s32 $0x6;
	p1 =	seq.s32 s4, $0x0  }
0x323: {  	[sflag:s0] =	ssyncpa.u1 $0x1;
	v0 =	vimm.s32 @p1 $0xFFFFFFFF  }
0x324: {  	s9 =	sadd.s32 $0xFFFFFFFF, s4;
	[tilespmem:$0x3878] =	vst @p1 v0  }
0x325: {  	v0 =	vld.msk @!p1 [tilespmem:s9+$0x3658], $0x1;
	_ =	sdelay $0x1  }
0x326: {  	v1 =	vld.msk @!p1 [tilespmem:$0x3658], $0x1;
	_ =	sdelay $0x2  }
0x327: {  	p2 =	seq.s32 @!p1 s9, $0x0;
	v0 =	vbroadcast @!p1 v0, $0x0  }
0x328: {  	vm0 =	vmmov @!p1 $0x1;
	p2 =	por !p2, p1  }
0x329: {  	v1 =	vnsel @!p1 vm0, $0xFFFFFFFF, v1;
	vm0 =	vcmask @!p1 $0x308;
	v0 =	vpsel !p2, $0xFFFFFFFF, v0  }
0x32a: {  	p2 =	sne.s32 @!p1 s8, s7;
	v0 =	vsel @!p1 vm0, v1, v0  }
0x32b: {  	s0 =	simm.s32 @!p1 $0x3678;
	s1 =	simm.s32 @!p1 $0x0;
	p3 =	por !p2, p1;
	[tilespmem:$0x3878] =	vst @!p1 v0  }
0x32c: {  	[spmem:s1] =	stream.linear.scatter @!p1 [tilespmem:s0], [sflag:$0x1], $0x10, $0x38;
	[tilespmem:$0x1F0F8] =	vst v63  }
0x32d: {  	s0 =	sshll.u32 @!p3 s9, $0x6  }
0x32e: {  	s0 =	sshra.s32 @!p3 s0, $0x2  }
0x32f: {  	s1 =	simm.s32 @!p3 $0x10;
	s0 =	sadd.s32 @!p3 $0x3678, s0  }
0x330: {  	[spmem:s1] =	stream.linear.scatter @!p3 [tilespmem:s0], [sflag:$0x1], $0x10, $0x38;
	[tilespmem:$0x1F0F8] =	vst v63  }
0x331: {  	s0 =	simm.s32 @!p3 $0x1  }
0x332: {  	_ =	swait.ge @!p3 [sflag:s0], $0x20  }
0x333: {  	p1 =	por p2, p1;
	[sflag:s0] =	ssyncset.done @!p3 $0x0  }
0x334: {  	[sflag:s0] =	ssyncadd.s32 @!p3 $0xFFFFFFE0;
	s0 =	simm.s32 @!p1 $0x1  }
0x335: {  	_ =	swait.ge @!p1 [sflag:s0], $0x10  }
0x336: {  	s29 =	simm.s32 $0x3878;
	[sflag:s0] =	ssyncset.done @!p1 $0x0  }
0x337: {  	s30 =	simm.s32 $0x200;
	s31 =	simm.s32 $0x1;
	[sflag:s0] =	ssyncadd.s32 @!p1 $0xFFFFFFF0  }
0x338: {  	[spmem:s30] =	stream.linear.scatter [tilespmem:s29], [sflag:$0x1], $0x10, $0x38;
	[tilespmem:$0x1F0F8] =	vst v63  }
0x339: {  	_ =	swait.ge [sflag:s31], $0x10  }
0x33a: {  	[sflag:s31] =	ssyncset.done $0x0  }
0x33b: {  	p1 =	seq.s32 s17, $0x0;
	s8 =	rddreg [dreg:$0x2];
	[sflag:s31] =	ssyncadd.s32 $0xFFFFFFF0  }
0x33c: {  	s1 =	sshll.u32 @p1 s8, $0xE;
	s7 =	rddreg [dreg:$0x3]  }
0x33d: {  	s0 =	sadd.s32 @p1 $0x15C3C, s1;
	s1 =	sshll.u32 @p1 s7, $0x11  }
0x33e: {  	_ =	sfence.stream.spmem;
	s0 =	sor.u32 @p1 s1, s0  }
0x33f: {  	[sflag:s0] =	ssyncadd.remote.s32 @p1 $0x1;
	s0 =	simm.s32 @p1 $0x4  }
0x340: {  	s2 =	simm.s32 @!p1 $0x3C;
	s1 =	sand.u32 $0xFFFFFFFE, s8;
	_ =	swait.ge @p1 [sflag:s0], $0x6  }
0x341: {  	s5 =	simm.s32 @!p1 $0x0;
	s1 =	sadd.s32 @!p1 $0x4, s1;
	[sflag:s0] =	ssyncset.done @p1 $0x0  }
0x342: {  	s6 =	simm.s32 @!p1 $0x20;
	[sflag:s0] =	ssyncadd.s32 @p1 $0xFFFFFFFA;
	s0 =	sshll.u32 @!p1 s1, $0x1A  }
0x343: {  	s1 =	sshll.u32 @!p1 s1, $0xD;
	s0 =	sor.u32 @!p1 s0, s7;
	_ =	swait.eq @!p1 [sflag:s2], $0x1  }
0x344: {  	s1 =	sor.u32 @!p1 $0x1C04, s1;
	s2 =	simm.s32 @!p1 $0x1C03;
	s0 =	sor.u32 @!p1 $0x80004000, s0  }
0x345: {  	[spmem:s6], [sflag:s1] =	dma.general @!p1 [spmem:s5], [sflag:s2], length:$0x4, [dreg:$0x0], stride_count:$0x0, ici_dest:s0, dma_misc:DstOpCode:WRITE  }
0x346: {  	p2 =	slt.s32 s9, $0x2;
	s5 =	simm.s32 @!p1 $0x40;
	s6 =	simm.s32 @!p1 $0x42  }
0x347: {  	[spmem:s6], [sflag:s1] =	dma.general @!p1 [spmem:s5], [sflag:s2], length:$0x2, [dreg:$0x0], stride_count:$0x0, ici_dest:s0, dma_misc:DstOpCode:WRITE  }
.Ltmp28:
0x348: {  	s0 =	simm.s32 @!p1 $0x3;
	(pc) =	sbr.rel @p2 .LBB2_37-.Ltmp28, $4  }
0x349: {  	s1 =	sshll.u32 @!p1 s8, $0xE;
	_ =	swait.ge @!p1 [sflag:s0], $0x6  }
0x34a: {  	s2 =	sshll.u32 @!p1 s7, $0x11;
	s1 =	sadd.s32 @!p1 $0x11C3C, s1;
	[sflag:s0] =	ssyncset.done @!p1 $0x0  }
0x34b: {  	[sflag:s0] =	ssyncadd.s32 @!p1 $0xFFFFFFFA;
	s0 =	sor.u32 @!p1 s2, s1  }
0x34c: {  	[sflag:s0] =	ssyncadd.remote.s32 @!p1 $0xFFFFFFFF;
	s0 =	simm.s32 $0x0  }
0x34d: {  	s0 =	simm.s32 $0x3659  }
0x34e: {  	v0 =	vld.msk [tilespmem:s0+$0x0], $0x1;
	_ =	sdelay $0x4  }
0x34f: {  	(v2sf) =	vpush v0, $0x0;
	_ =	sdelay $0xd  }
0x350: {  	s2 =	sadd.s32 $0xFFFFFFFE, s4  }
0x351: {  	s2 =	sadd.s32 $0xFFFFFFFF, s2;
	s0 =	spop (v2sf)  }
0x352: {  	p2 =	sne.s32 s2, $0x0;
	p1 =	sgt.u32 s0, $0x270FF  }
.Ltmp29:
0x353: {  	s4 =	sand.u32 @!p1 $0x3FFF8, s0;
	(pc) =	sbr.rel @!p2 .LBB2_36-.Ltmp29, $4  }
0x354: {  	s1 =	simm.s32 $0x3688;
	s0 =	sand.u32 @!p1 $0x7, s0;
	s4 =	sadd.s32 @!p1 s3, s4  }
0x355: {  	[hbm4b:s4+s0] =	stream.linear.scatter @!p1 [tilespmem:s1], [sflag:$0x5], $0x8, $0x38;
	[tilespmem:$0x1F0F8] =	vst v63  }
0x356: {  	s0 =	simm.s32 $0x0  }
0x357: {  	s7 =	simm.s32 $0x365A;
	s4 =	simm.s32 $0x0;
	s0 =	simm.s32 @!p1 $0x20  }
.LBB2_35:
0x358: {  	v0 =	vld.msk [tilespmem:s7+$0x0], $0x1;
	s2 =	sadd.s32 $0xFFFFFFFF, s2;
	s4 =	sadd.s32 s4, s0  }
0x359: {  	p1 =	sne.s32 s2, $0x0;
	_ =	sdelay $0x3  }
0x35a: {  	(v2sf) =	vpush v0, $0x0;
	_ =	sdelay $0xe  }
.Ltmp30:
0x35b: {  	s5 =	spop (v2sf);
	(pc) =	sbr.rel @p1 .LBB2_35-.Ltmp30, $4  }
0x35c: {  	s0 =	simm.s32 $0x0;
	p2 =	sgt.u32 s5, $0x270FF  }
0x35d: {  	s1 =	sadd.s32 $0x10, s1;
	s0 =	simm.s32 @!p2 $0x20;
	s6 =	sand.u32 @!p2 $0x3FFF8, s5  }
0x35e: {  	s7 =	sadd.s32 $0x1, s7;
	s5 =	sand.u32 @!p2 $0x7, s5;
	s6 =	sadd.s32 @!p2 s3, s6  }
0x35f: {  	[hbm4b:s6+s5] =	stream.linear.scatter @!p2 [tilespmem:s1], [sflag:$0x5], $0x8, $0x38;
	[tilespmem:$0x1F0F8] =	vst v63  }
.LBB2_36:
0x360: {  	s0 =	sadd.s32 s4, s0  }
0x361: {  	s0 =	sshrl.u32 s0, $0x2  }
.LBB2_37:
0x362: {  	s1 =	simm.s32 $0x5  }
0x363: {  	_ =	swait.ge [sflag:s1], s0  }
0x364: {  	s31 =	ssub.s32 $0x0, s0;
	[sflag:s1] =	ssyncset.done $0x0  }
0x365: {  	[sflag:s1] =	ssyncadd.s32 s31  }
0x366: {  	[sflag:s1] =	ssyncpa.u1 $0x1  }
.LBB2_38:
0x367: {  	s0 =	sor.u32 s17, s16  }
0x368: {  	p1 =	sne.s32 s0, $0x0  }
.Ltmp31:
0x369: {  	_ = 	snop;
	(pc) =	sbr.rel @p1 .LBB2_53-.Ltmp31, $3  }
0x36a: {  	_ =	sdelay $0x1  }
0x36b: {  	[bflag:$0x0] =	sbarrier.arrive $0xFFFF  }
0x36c: {  	_ =	sfence  }
0x36d: {  	s0 =	simm.s32 $0x7  }
0x36e: {  	s1 =	simm.s32 $0x200;
	s2 =	simm.s32 $0x3658;
	[sflag:s0] =	ssyncpa.u1 $0x0  }
0x36f: {  	[tilespmem:s2], [sflag:$0x7] =	stream.linear.gather [spmem:s1], $0x20, $0x38;
	[tilespmem:$0x1F0F8] =	vst v63  }
0x370: {  	s30 =	simm.s32 $0x3678;
	s1 =	simm.s32 $0x0  }
0x371: {  	[tilespmem:s30], [sflag:$0x7] =	stream.linear.gather [spmem:s1], $0x200, $0x38;
	[tilespmem:$0x1F0F8] =	vst v63  }
.Ltmp32:
0x372: {  	_ = 	snop;
	(pc) =	sbr.rel .LBB2_40-.Ltmp32, $4  }
0x373: {  	_ =	swait.ge [sflag:s0], $0x220  }
0x374: {  	[sflag:s0] =	ssyncset.done $0x0  }
0x375: {  	s31 =	simm.s32 $0x8;
	[sflag:s0] =	ssyncadd.s32 $0xFFFFFDE0  }
0x376: {  	s2 =	simm.s32 $0x0;
	[sflag:s31] =	ssyncpa.u1 $0x0  }
.LBB2_45:
0x377: {  	p1 =	slt.u32 s4, $0x27100  }
0x378: {  	s0 =	sand.u32 @p1 $0x3FFF8, s4  }
0x379: {  	s4 =	sand.u32 @p1 $0x7, s4;
	s5 =	simm.s32 @p1 $0x3638;
	s0 =	sadd.s32 @p1 s3, s0  }
0x37a: {  	[tilespmem:s5], [sflag:$0x8] =	stream.linear.gather @p1 [hbm4b:s0+s4], $0x8, $0x38;
	[tilespmem:$0x1F0F8] =	vst v63  }
0x37b: {  	s0 =	simm.s32 @p1 $0x8  }
0x37c: {  	_ =	swait.ge @p1 [sflag:s0], $0x8  }
0x37d: {  	[sflag:s0] =	ssyncset.done @p1 $0x0  }
0x37e: {  	[sflag:s0] =	ssyncadd.s32 @p1 $0xFFFFFFF8  }
0x37f: {  	v1 =	vld @p1 [tilespmem:$0x3638];
	_ =	sdelay $0x2  }
0x380: {  	s0 =	sshll.u32 @p1 s2, $0x6  }
0x381: {  	s5 =	sshll.u32 @!p1 s2, $0x6;
	s4 =	sshrl.u32 @p1 s0, $0x2  }
0x382: {  	s5 =	smov.u32 @p1 s0;
	[tilespmem:s4+$0x3678] =	vst.add.f32.msk @p1 $0xffff, v1  }
0x383: {  	s0 =	sshrl.u32 s5, $0x2;
	[tilespmem:s1+$0x3658] =	vst.msk $0x1, v0  }
0x384: {  	v0 =	vld [tilespmem:s0+$0x3678];
	_ =	sdelay $0x2  }
0x385: {  	s31 =	sshll.u32 s1, $0x6  }
0x386: {  	s0 =	sshra.s32 s31, $0x2  }
0x387: {  	s1 =	sadd.s32 $0x1, s1;
	[tilespmem:s0+$0x3678] =	vst v0  }
.LBB2_47:
0x388: {  	s2 =	sadd.s32 $0x1, s2  }
0x389: {  	p1 =	sne.s32 s2, $0x20  }
.Ltmp33:
0x38a: {  	_ = 	snop;
	(pc) =	sbr.rel @!p1 .LBB2_48-.Ltmp33, $1  }
0x38b: {  	_ =	sdelay $0x3  }
.LBB2_40:
0x38c: {  	v0 =	vld.msk [tilespmem:s2+$0x3658], $0x1;
	_ =	sdelay $0x4  }
0x38d: {  	(v2sf) =	vpush v0, $0x0;
	_ =	sdelay $0xe  }
0x38e: {  	s4 =	spop (v2sf)  }
0x38f: {  	p1 =	seq.s32 s4, $0xFFFFFFFF  }
.Ltmp34:
0x390: {  	_ = 	snop;
	(pc) =	sbr.rel @p1 .LBB2_47-.Ltmp34, $1  }
0x391: {  	_ =	sdelay $0x3  }
0x392: {  	p1 =	slt.s32 s1, $0x1  }
.Ltmp35:
0x393: {  	_ = 	snop;
	(pc) =	sbr.rel @p1 .LBB2_45-.Ltmp35, $1  }
0x394: {  	_ =	sdelay $0x3  }
0x395: {  	s5 =	simm.s32 $0x3658;
	p1 =	por $0x0, $0x0  }
0x396: {  	v1 =	vld.msk @!p1 [tilespmem:s5+$0x0], $0x1;
	_ =	sdelay $0x4  }
0x397: {  	(v2sf) =	vpush @!p1 v1, $0x0;
	_ =	sdelay $0xd  }
0x398: {  	p3 =	sne.s32 s1, $0x1  }
.Ltmp36:
0x399: {  	s0 =	spop @!p1 (v2sf);
	(pc) =	sbr.rel @!p3 .LBB2_44-.Ltmp36, $4  }
0x39a: {  	p2 =	seq.s32 @!p1 s4, s0  }
0x39b: {  	s6 =	simm.s32 $0x0;
	p2 =	por !p2, p1  }
0x39c: {  	s0 =	simm.s32 $0xFFFFFFFF;
	s6 =	simm.s32 @p2 $0xFFFFFFFF  }
0x39d: {  	s7 =	simm.s32 $0x1;
	s6 =	smov.u32 @p1 s0  }
.LBB2_43:
0x39e: {  	s0 =	smov.u32 s6;
	p1 =	sne.s32 s6, $0xFFFFFFFF  }
0x39f: {  	s5 =	sadd.s32 $0x1, s5;
	s6 =	smov.u32 s7;
	s7 =	sadd.s32 $0x1, s7  }
0x3a0: {  	p2 =	sne.s32 s1, s7;
	v1 =	vld.msk @!p1 [tilespmem:s5+$0x0], $0x1;
	_ =	sdelay $0x4  }
0x3a1: {  	(v2sf) =	vpush @!p1 v1, $0x0;
	_ =	sdelay $0xe  }
.Ltmp37:
0x3a2: {  	s8 =	spop @!p1 (v2sf);
	(pc) =	sbr.rel @p2 .LBB2_43-.Ltmp37, $4  }
0x3a3: {  	p3 =	seq.s32 @!p1 s4, s8  }
0x3a4: {  	p3 =	por !p3, p1  }
0x3a5: {  	s6 =	simm.s32 @p3 $0xFFFFFFFF  }
0x3a6: {  	s6 =	smov.u32 @p1 s0  }
.LBB2_44:
0x3a7: {  	p1 =	sne.s32 s6, $0xFFFFFFFF  }
.Ltmp38:
0x3a8: {  	_ = 	snop;
	(pc) =	sbr.rel @!p1 .LBB2_45-.Ltmp38, $1  }
0x3a9: {  	_ =	sdelay $0x3  }
0x3aa: {  	s0 =	sshll.u32 s2, $0x4  }
0x3ab: {  	s0 =	sand.u32 $0x3FFFFFF0, s0  }
0x3ac: {  	v0 =	vld [tilespmem:s0+$0x3678]  }
.Ltmp39:
0x3ad: {  	_ = 	snop;
	(pc) =	sbr.rel .LBB2_47-.Ltmp39, $4  }
0x3ae: {  	_ = 	snop  }
0x3af: {  	s31 =	sshll.u32 s6, $0x6  }
0x3b0: {  	s0 =	sshra.s32 s31, $0x2  }
0x3b1: {  	[tilespmem:s0+$0x3678] =	vst.add.f32.msk $0xffff, v0  }
.LBB2_48:
0x3b2: {  	p1 =	slt.s32 s1, $0x1  }
.Ltmp40:
0x3b3: {  	_ = 	snop;
	(pc) =	sbr.rel @p1 .LBB2_52-.Ltmp40, $3  }
0x3b4: {  	_ =	sdelay $0x1  }
0x3b5: {  	s0 =	simm.s32 $0x8  }
0x3b6: {  	s2 =	simm.s32 $0x0;
	[sflag:s0] =	ssyncpa.u1 $0x1  }
0x3b7: {  	s0 =	simm.s32 $0x3658  }
0x3b8: {  	v0 =	vld.msk [tilespmem:s0+$0x0], $0x1;
	_ =	sdelay $0x4  }
0x3b9: {  	(v2sf) =	vpush v0, $0x0;
	_ =	sdelay $0xe  }
0x3ba: {  	s1 =	sadd.s32 $0xFFFFFFFF, s1;
	s0 =	spop (v2sf)  }
0x3bb: {  	p2 =	sne.s32 s1, $0x0;
	p1 =	sgt.u32 s0, $0x270FF  }
.Ltmp41:
0x3bc: {  	s5 =	sand.u32 @!p1 $0x3FFF8, s0;
	(pc) =	sbr.rel @!p2 .LBB2_51-.Ltmp41, $4  }
0x3bd: {  	s4 =	simm.s32 $0x3678;
	s0 =	sand.u32 @!p1 $0x7, s0;
	s5 =	sadd.s32 @!p1 s3, s5  }
0x3be: {  	[hbm4b:s5+s0] =	stream.linear.scatter @!p1 [tilespmem:s4], [sflag:$0x7], $0x8, $0x38;
	[tilespmem:$0x1F0F8] =	vst v63  }
0x3bf: {  	s0 =	simm.s32 $0x0  }
0x3c0: {  	s5 =	simm.s32 $0x3659;
	s0 =	simm.s32 @!p1 $0x20  }
.LBB2_50:
0x3c1: {  	v0 =	vld.msk [tilespmem:s5+$0x0], $0x1;
	s1 =	sadd.s32 $0xFFFFFFFF, s1;
	s2 =	sadd.s32 s2, s0  }
0x3c2: {  	p1 =	sne.s32 s1, $0x0;
	_ =	sdelay $0x3  }
0x3c3: {  	(v2sf) =	vpush v0, $0x0;
	_ =	sdelay $0xe  }
.Ltmp42:
0x3c4: {  	s6 =	spop (v2sf);
	(pc) =	sbr.rel @p1 .LBB2_50-.Ltmp42, $4  }
0x3c5: {  	s0 =	simm.s32 $0x0;
	p2 =	sgt.u32 s6, $0x270FF  }
0x3c6: {  	s4 =	sadd.s32 $0x10, s4;
	s0 =	simm.s32 @!p2 $0x20;
	s7 =	sand.u32 @!p2 $0x3FFF8, s6  }
0x3c7: {  	s5 =	sadd.s32 $0x1, s5;
	s6 =	sand.u32 @!p2 $0x7, s6;
	s7 =	sadd.s32 @!p2 s3, s7  }
0x3c8: {  	[hbm4b:s7+s6] =	stream.linear.scatter @!p2 [tilespmem:s4], [sflag:$0x7], $0x8, $0x38;
	[tilespmem:$0x1F0F8] =	vst v63  }
.LBB2_51:
0x3c9: {  	s0 =	sadd.s32 s2, s0  }
0x3ca: {  	s2 =	sshrl.u32 s0, $0x2  }
.LBB2_52:
0x3cb: {  	s0 =	simm.s32 $0x7  }
0x3cc: {  	_ =	swait.ge [sflag:s0], s2  }
0x3cd: {  	s1 =	ssub.s32 $0x0, s2;
	[sflag:s0] =	ssyncset.done $0x0  }
0x3ce: {  	[sflag:s0] =	ssyncadd.s32 s1  }
0x3cf: {  	[sflag:s0] =	ssyncpa.u1 $0x1  }
.LBB2_53:
0x3d0: {  	_ =	sfence;
	s0 =	simm.s32 $0x1  }
0x3d1: {  	[sflag:s0] =	ssyncpa.u1 $0x1  }
0x3d2: {  	_ =	strace $0x9000004D  }
0x3d3: {  	[bflag:$0x2] =	sbarrier.arrive $0xFFFF  }
0x3d4: {  	s0 =	rddreg [dreg:$0x4]  }
0x3d5: {  	s0 =	sadd.s32 @!p0 $0x100000, s0  }
0x3d6: {  	[sflag:s0] =	ssyncadd.tile.s32 @!p0 $0x1;
	_ =	shalt  }
.Lfunc_end2:
_tile_overlayer_lowered:
.L_overlay_start_2:
0x3d7: {  	(tag) =	ssettag $0x2  }
0x3d8: {  	s0 =	rddreg [dreg:$0x0];
	s2 =	stileid.u32  }
0x3d9: {  	s1 =	rddreg [dreg:$0x1];
	p0 =	sne.s32 s2, $0x0  }
0x3da: {  	s3 =	rddreg [dreg:$0x2];
	[bflag:$0x3] =	sbarrier.arrive $0xFFFF;
	s2 =	simm.s32 @!p0 $0x1C01  }
0x3db: {  	[timem:s3], [sflag:s2] =	dma.local @!p0 [hbm:s0], s1  }
0x3dc: {  	s0 =	simm.s32 @!p0 $0x1  }
0x3dd: {  	_ =	swait.ge @!p0 [sflag:s0], s1  }
0x3de: {  	s1 =	ssub.s32 @!p0 $0x0, s1;
	[sflag:s0] =	ssyncset.done @!p0 $0x0  }
0x3df: {  	[sflag:s0] =	ssyncadd.s32 @!p0 s1  }
0x3e0: {  	[bflag:$0x3] =	sbarrier.arrive $0xFFFF  }
0x3e1: {  	_ =	shalt  }

// kernel: sparse-core-data-format-call.cloned.1.call-start
scs
called_computation.1_lowered:
.L_overlay_start_0:
0x0: {  	s1 =	sld [smem:$0x3FD9]  }
0x1: {  	s2 =	sld [smem:$0x3FFE];
	_ =	sdelay $0x1  }
0x2: {  	s3 =	srdreg.scid  }
0x3: {  	s0 =	sand.u32 $0x1, s3  }
0x4: {  	s17 =	sshll.u32 s0, $0xA;
	s1 =	sadd.s32 s2, s1  }
0x5: {  	s1 =	sadd.s32 s1, s17  }
0x6: {  	[smem:$0x3FC4] =	sst s1  }
0x7: {  	_ = 	snop  }
0x8: {  	(tm) =	ssettm $0x1  }
0x9: {  	s18 =	sld [smem:$0x3FFB];
	_ =	sdelay $0x3  }
0xa: {  	_ =	strace s18  }
0xb: {  	s1 =	sld [smem:$0x3FFC];
	_ =	sdelay $0x3  }
0xc: {  	_ =	strace s1  }
0xd: {  	s1 =	sld [smem:$0x3FFD];
	_ =	sdelay $0x3  }
0xe: {  	_ =	strace s1  }
0xf: {  	_ =	strace $0x8FFFFFFF  }
0x10: {  	s19 =	sld [smem:$0x3FDB];
	_ =	sdelay $0x1  }
0x11: {  	s20 =	simm.s32 $_scs_section_size  }
0x12: {  	s4 =	simm.s32 $_size__tile_overlayer_lowered;
	s5 =	simm.s32 $_tile_overlayer_lowered  }
0x13: {  	s23 =	simm.s32 $0x1BFF;
	s22 =	sshll.u32 s5, $0x1;
	s1 =	sadd.s32 s20, s19  }
0x14: {  	s6 =	simm.s32 $0x0;
	s21 =	sshll.u32 s4, $0x1;
	s4 =	sadd.s32 s22, s1  }
0x15: {  	[timem:s6], [sflag:s23] =	dma.local [hbm:s4], s21  }
0x16: {  	_ =	swait.ge [sflag:s23], s21  }
0x17: {  	s2 =	ssub.s32 $0x0, s21;
	[sflag:s23] =	ssyncset.done $0x0  }
0x18: {  	[sflag:s23] =	ssyncadd.s32 s2;
	_ =	sdelay $0x1  }
0x19: {  	s24 =	simm.s32 $0x1B8B  }
0x1a: {  	_ =	swait.ge [sflag:s24], $0x1  }
0x1b: {  	[sflag:s24] =	ssyncset.done $0x0  }
0x1c: {  	s26 =	simm.s32 $0x1B8E;
	s25 =	sld [smem:$0x3FFE];
	[sflag:s24] =	ssyncadd.s32 $0xFFFFFFFF  }
0x1d: {  	s27 =	simm.s32 $execute0_lowered;
	[smem:$0x3FD2] =	sst s26  }
0x1e: {  	s4 =	sshll.u32 s27, $0x1;
	_ =	strace $0x80000049;
	[dreg:$0x1] =	wrdreg $0xFFFFFFFF  }
0x1f: {  	s28 =	simm.s32 $_size_execute0_lowered;
	s1 =	sadd.s32 s1, s4;
	[dreg:$0x0] =	wrdreg $0x0  }
0x20: {  	s4 =	sshll.u32 s28, $0x1;
	[dreg:$0x2] =	wrdreg s1  }
0x21: {  	[dreg:$0x3] =	wrdreg s4  }
0x22: {  	[dreg:$0x4] =	wrdreg $0xC0  }
0x23: {  	_ =	task [dreg:s6], $0x5FFFF  }
0x24: {  	[dreg:$0x1] =	wrdreg $0xFFFFFFFF  }
0x25: {  	[dreg:$0x0] =	wrdreg $0x60  }
0x26: {  	[dreg:$0x2] =	wrdreg s25  }
0x27: {  	[dreg:$0x3] =	wrdreg $0xA  }
0x28: {  	_ =	task.clear_ibuf [dreg:s6], $0x4FFFF;
	_ =	strace $0x90000049  }
0x29: {  	s29 =	simm.s32 $0xA;
	_ =	strace $0x8000004B  }
0x2a: {  	_ =	swait.ge [sflag:s29], $0x1  }
0x2b: {  	[sflag:s29] =	ssyncadd.s32 $0xFFFFFFFF  }
0x2c: {  	_ =	strace $0x9000004B  }
0x2d: {  	_ =	sfence  }
0x2e: {  	s30 =	sld [smem:$0x0];
	_ =	sdelay $0x2  }
0x2f: {  	s31 =	sshll.u32 s3, $0xD;
	s3 =	sshrl.u32 s3, $0x2  }
0x30: {  	s2 =	sand.u32 $0x4000, s31;
	s1 =	sadd.s32 s3, s30  }
0x31: {  	s0 =	sor.u32 s2, s0;
	s1 =	sshll.u32 s1, $0x11  }
0x32: {  	s0 =	sor.u32 s1, s0  }
0x33: {  	s0 =	sadd.s32 $0x8F2B, s0  }
0x34: {  	[sflag:s0] =	ssyncadd.remote.s32 $0x1  }
0x35: {  	_ =	sfence.sel $0xFFFF  }
0x36: {  	[dreg:$0x0] =	wrdreg $0xFFFFFFFF;
	(pc) =	sbr.abs _section_cstart, $3  }
0x37: {  	[dreg:$0x1] =	wrdreg $0xFFFFFFFF  }
0x38: {  	_ =	task.clear_ibuf [dreg:s6], $0x2FFFF;
	_ =	strace $0x9FFFFFFF  }
0x39: {  	(tm) =	ssettm $0x7FFFFFFF  }
tec
execute0_lowered:
.L_overlay_start_1:
0x0: {  	(tag) =	ssettag $0x1  }
0x1: {  	s1 =	rddreg [dreg:$0x0]  }
0x2: {  	s0 =	rddreg [dreg:$0x1];
	_ =	strace $0x8000004A  }
0x3: {  	s4 =	srdreg.scid;
	s6 =	simm.s32 $0x2;
	p0 =	por $0x0, $0x0  }
.Ltmp0:
0x4: {  	s9 =	simm.s32 $0x0;
	s7 =	simm.s32 $0x0;
	(pc) =	sbr.rel .LBB1_1-.Ltmp0, $4  }
0x5: {  	s2 =	sadd.s32 $0x53A600, s1;
	s3 =	sadd.s32 $0x2C4A600, s1;
	s5 =	sshll.u32 s4, $0x4  }
0x6: {  	s1 =	stileid.u32;
	s4 =	simm.s32 $0x1;
	s5 =	sand.u32 $0x10, s5  }
0x7: {  	s15 =	simm.s32 $0x0;
	[sflag:s4] =	ssyncpa.u1 $0x0;
	s5 =	sor.u32 s1, s5  }
0x8: {  	[sflag:s6] =	ssyncpa.u1 $0x0;
	s6 =	simm.s32 $0x0;
	s8 =	smov.u32 s5  }
.LBB1_7:
0x9: {  	s11 =	sadd.s32 $0x20, s8  }
0xa: {  	p1 =	slt.u32 s7, $0x2;
	s7 =	sadd.s32 $0x1, s7;
	p2 =	sgt.s32 s11, $0x4E1F  }
0xb: {  	s11 =	smov.u32 @p2 s5;
	p2 =	sne.s32 s7, $0x273  }
.Ltmp1:
0xc: {  	_ = 	snop;
	(pc) =	sbr.rel @!p2 .LBB1_8-.Ltmp1, $4  }
0xd: {  	s10 =	simm.s32 @!p1 $0x2  }
0xe: {  	_ =	swait.ge @!p1 [sflag:s10], $0x4000  }
0xf: {  	s9 =	smov.u32 s8;
	[sflag:s10] =	ssyncset.done @!p1 $0x0  }
0x10: {  	p0 =	por !p0, !p0;
	s8 =	smov.u32 s11;
	[sflag:s10] =	ssyncadd.s32 @!p1 $0xFFFFC000  }
.LBB1_1:
0x11: {  	p1 =	sgt.u32 s7, $0x270  }
0x12: {  	s10 =	sxor.u32 @!p1 $0xFFFFFFFF, s7  }
0x13: {  	s11 =	sshll.u32 @!p1 s8, $0xB;
	s10 =	sshll.u32 @!p1 s10, $0xE  }
0x14: {  	s12 =	simm.s32 @!p1 $0x0;
	s11 =	sadd.s32 @!p1 s2, s11;
	s10 =	sand.u32 @!p1 $0x4000, s10  }
0x15: {  	[tilespmem:s10], [sflag:$0x1] =	stream.linear.gather @!p1 [hbm4b:s11+s12], $0x4000, $0x38;
	[tilespmem:$0x10000] =	vst v63  }
0x16: {  	p1 =	seq.s32 s7, $0x0  }
0x17: {  	p2 =	seq.s32 @!p1 s7, $0x272  }
0x18: {  	p1 =	por p1, p2  }
.Ltmp2:
0x19: {  	_ = 	snop;
	(pc) =	sbr.rel @p1 .LBB1_7-.Ltmp2, $1  }
0x1a: {  	_ =	sdelay $0x3  }
0x1b: {  	s10 =	simm.s32 $0x1  }
0x1c: {  	_ =	swait.ge [sflag:s4], $0x4000;
	s11 =	sshll.u32 s7, $0xE;
	p1 =	por $0x0, $0x0  }
0x1d: {  	s16 =	simm.s32 $0x0;
	s17 =	simm.s32 $0x0;
	s10 =	simm.s32 @!p0 $0x0  }
0x1e: {  	[sflag:s4] =	ssyncset.done $0x0;
	s13 =	sand.u32 $0x4000, s11;
	s10 =	sshll.u32 s10, $0x10  }
0x1f: {  	[sflag:s4] =	ssyncadd.s32 $0xFFFFC000;
	s11 =	sor.u32 $0x8000, s13;
	s14 =	sshrl.u32 s10, $0x2  }
0x20: {  	s10 =	sor.u32 $0x40, s14;
	s12 =	sor.u32 $0x8410, s14;
	s14 =	sadd.s32 $0x8400, s14  }
.LBB1_3:
0x21: {  	v1 =	vld [tilespmem:s10+$0xFFFFFFD0]  }
0x22: {  	v2 =	vld [tilespmem:s10+$0x430]  }
0x23: {  	s18 =	sshll.u32 s17, $0xB;
	v4 =	vld [tilespmem:s10+$0xFFFFFFE0]  }
0x24: {  	v7 =	vld [tilespmem:s10+$0xFFFFFFF0];
	v0 =	vmov s18  }
0x25: {  	v8 =	vld [tilespmem:s10+$0x0]  }
0x26: {  	s30 =	sand.u32 $0x300, s15;
	v9 =	vld [tilespmem:s10+$0x10]  }
0x27: {  	s19 =	sand.u32 $0x80, s15;
	v10 =	vld [tilespmem:s10+$0x20];
	s18 =	sadd.s32 s30, s13  }
0x28: {  	v11 =	vld [tilespmem:s10+$0x30];
	s18 =	sadd.s32 s19, s18;
	s19 =	simm.s32 $0x1;
	[tilespmem:s12+$0x60] =	vst v2  }
0x29: {  	s31 =	sshll.u32 s16, $0x2;
	s19 =	simm.s32 @!p1 $0x0;
	[tilespmem:s12+$0xFFFFFC00] =	vst v1;
	v3 =	vld.idx.msk [tilespmem:v0+s18+$0x400 ss:$0x1], $0xffff  }
0x2a: {  	v6 =	vld [tilespmem:s10+$0x3D0];
	s19 =	sshll.u32 s19, $0x9;
	[tilespmem:s12+$0xFFFFFC10] =	vst v4;
	s18 =	sand.u32 $0xFFFFFC00, s31  }
0x2b: {  	v5 =	vld [tilespmem:s10+$0x3E0];
	[tilespmem:s12+$0xFFFFFC20] =	vst v7;
	s18 =	sor.u32 s19, s18  }
0x2c: {  	[tilespmem:s12+$0xFFFFFC30] =	vst v8;
	v4 =	vld [tilespmem:s10+$0x400];
	s18 =	sshrl.u32 s18, $0x2  }
0x2d: {  	[tilespmem:s12+$0xFFFFFC40] =	vst v9;
	v1 =	vld [tilespmem:s10+$0x410];
	s18 =	sadd.s32 s18, s14  }
0x2e: {  	[tilespmem:s18+$0x0] =	vst v3;
	v3 =	vld [tilespmem:s10+$0x3F0]  }
0x2f: {  	s22 =	simm.s32 $0x80;
	s21 =	simm.s32 $0x100;
	[tilespmem:s12+$0xFFFFFC50] =	vst v10;
	v2 =	vld [tilespmem:s10+$0x420]  }
0x30: {  	s20 =	smov.u32 s12;
	s23 =	sand.u32 $0x300, s22;
	v7 =	vld [tilespmem:s10+$0xFFFFFFC0];
	[tilespmem:s12+$0xFFFFFC60] =	vst v11;
	s19 =	sadd.s32 $0x80, s10  }
.LBB1_4:
0x31: {  	p2 =	sne.s32 s21, $0x380;
	v8 =	vld [tilespmem:s19+$0xFFFFFFD0];
	s22 =	sand.u32 $0x80, s22;
	s23 =	sadd.s32 s23, s13;
	[tilespmem:s20+$0x0] =	vst v6  }
0x32: {  	s23 =	sadd.s32 s22, s23;
	v6 =	vld [tilespmem:s19+$0x430];
	[tilespmem:s20+$0x10] =	vst v5;
	s22 =	smov.u32 s21  }
0x33: {  	v5 =	vld.idx.msk [tilespmem:v0+s23+$0x400 ss:$0x1], $0xffff;
	[tilespmem:s20+$0x20] =	vst v3  }
0x34: {  	v3 =	vld [tilespmem:s19+$0xFFFFFFE0];
	[tilespmem:s20+$0x30] =	vst v4  }
0x35: {  	v4 =	vld [tilespmem:s19+$0xFFFFFFF0];
	[tilespmem:s20+$0xFFFFFBF0] =	vst v7  }
0x36: {  	v7 =	vld [tilespmem:s19+$0x0];
	[tilespmem:s20+$0x40] =	vst v1  }
0x37: {  	v1 =	vld [tilespmem:s19+$0x10];
	[tilespmem:s20+$0x50] =	vst v2;
	s20 =	sadd.s32 $0x800, s20  }
0x38: {  	s18 =	sadd.s32 $0x800, s18;
	v2 =	vld [tilespmem:s19+$0x20];
	[tilespmem:s20+$0x60] =	vst v6  }
0x39: {  	v9 =	vld [tilespmem:s19+$0x30];
	[tilespmem:s18+$0x0] =	vst v5  }
0x3a: {  	[tilespmem:s20+$0xFFFFFC00] =	vst v8;
	v6 =	vld [tilespmem:s19+$0x3D0]  }
0x3b: {  	[tilespmem:s20+$0xFFFFFC10] =	vst v3;
	v5 =	vld [tilespmem:s19+$0x3E0]  }
.Ltmp3:
0x3c: {  	[tilespmem:s20+$0xFFFFFC20] =	vst v4;
	v3 =	vld [tilespmem:s19+$0x3F0];
	(pc) =	sbr.rel @p2 .LBB1_4-.Ltmp3, $4  }
0x3d: {  	[tilespmem:s20+$0xFFFFFC30] =	vst v7;
	v4 =	vld [tilespmem:s19+$0x400]  }
0x3e: {  	[tilespmem:s20+$0xFFFFFC40] =	vst v1;
	v1 =	vld [tilespmem:s19+$0x410]  }
0x3f: {  	[tilespmem:s20+$0xFFFFFC50] =	vst v2;
	v2 =	vld [tilespmem:s19+$0x420]  }
0x40: {  	s21 =	sadd.s32 $0x80, s21;
	s23 =	sand.u32 $0x300, s22;
	v7 =	vld [tilespmem:s19+$0xFFFFFFC0];
	[tilespmem:s20+$0xFFFFFC60] =	vst v9;
	s19 =	sadd.s32 $0x80, s19  }
0x41: {  	[tilespmem:s20+$0x0] =	vst v6  }
0x42: {  	[tilespmem:s20+$0x10] =	vst v5  }
0x43: {  	v49 =	vld [tilespmem:s19+$0x430];
	[tilespmem:s20+$0x20] =	vst v3  }
0x44: {  	v50 =	vld [tilespmem:s19+$0xFFFFFFD0];
	[tilespmem:s20+$0x30] =	vst v4  }
0x45: {  	v51 =	vld [tilespmem:s19+$0xFFFFFFE0];
	[tilespmem:s20+$0x40] =	vst v1  }
0x46: {  	v52 =	vld [tilespmem:s19+$0xFFFFFFF0];
	[tilespmem:s20+$0x50] =	vst v2  }
0x47: {  	s31 =	sadd.s32 $0x800, s20;
	v53 =	vld [tilespmem:s19+$0x0];
	[tilespmem:s20+$0xFFFFFBF0] =	vst v7  }
0x48: {  	v54 =	vld [tilespmem:s19+$0x10];
	[tilespmem:s31+$0x60] =	vst v49  }
0x49: {  	v55 =	vld [tilespmem:s19+$0x20];
	[tilespmem:s31+$0xFFFFFC00] =	vst v50  }
0x4a: {  	v56 =	vld [tilespmem:s19+$0x30];
	[tilespmem:s31+$0xFFFFFC10] =	vst v51  }
0x4b: {  	v57 =	vld [tilespmem:s19+$0x3D0];
	[tilespmem:s31+$0xFFFFFC20] =	vst v52  }
0x4c: {  	v58 =	vld [tilespmem:s19+$0x3E0];
	[tilespmem:s31+$0xFFFFFC30] =	vst v53  }
0x4d: {  	v59 =	vld [tilespmem:s19+$0x3F0];
	[tilespmem:s31+$0xFFFFFC40] =	vst v54  }
0x4e: {  	v60 =	vld [tilespmem:s19+$0x400];
	[tilespmem:s31+$0xFFFFFC50] =	vst v55  }
0x4f: {  	v61 =	vld [tilespmem:s19+$0xFFFFFFC0];
	[tilespmem:s31+$0xFFFFFC60] =	vst v56  }
0x50: {  	s21 =	sand.u32 $0x80, s22;
	s30 =	sadd.s32 s23, s13;
	v62 =	vld [tilespmem:s19+$0x410];
	[tilespmem:s31+$0x0] =	vst v57  }
0x51: {  	v63 =	vld [tilespmem:s19+$0x420];
	s17 =	sadd.s32 $0x1, s17;
	s21 =	sadd.s32 s21, s30;
	[tilespmem:s31+$0x10] =	vst v58  }
0x52: {  	p2 =	sne.s32 s17, $0x8;
	v0 =	vld.idx.msk [tilespmem:v0+s21+$0x400 ss:$0x1], $0xffff;
	[tilespmem:s31+$0x20] =	vst v59  }
.Ltmp4:
0x53: {  	[tilespmem:s31+$0x30] =	vst v60;
	(pc) =	sbr.rel @p2 .LBB1_3-.Ltmp4, $4  }
0x54: {  	[tilespmem:s31+$0xFFFFFBF0] =	vst v61  }
0x55: {  	[tilespmem:s31+$0x40] =	vst v62  }
0x56: {  	s18 =	sadd.s32 $0x800, s18;
	s10 =	sadd.s32 $0x800, s10;
	[tilespmem:s31+$0x50] =	vst v63  }
0x57: {  	s16 =	sadd.s32 $0x80, s16;
	p1 =	por !p1, !p1;
	s12 =	sadd.s32 $0x80, s12;
	[tilespmem:s18+$0x0] =	vst v0  }
.Ltmp5:
0x58: {  	(pc) =	sbr.rel .LBB1_7-.Ltmp5, $4  }
0x59: {  	_ = 	snop  }
0x5a: {  	s9 =	sshll.u32 s9, $0xB  }
0x5b: {  	s9 =	sadd.s32 s3, s9  }
0x5c: {  	[hbm4b:s9+s6] =	stream.linear.scatter [tilespmem:s11], [sflag:$0x2], $0x4000, $0x38;
	[tilespmem:$0x10000] =	vst v63  }
.LBB1_8:
0x5d: {  	_ =	sfence.sel $0x180000  }
0x5e: {  	s2 =	simm.s32 $0x1;
	[bflag:$0x0] =	sbarrier.arrive $0xFFFF  }
0x5f: {  	s31 =	simm.s32 $0x2;
	[sflag:s2] =	ssyncpa.u1 $0x1  }
0x60: {  	[sflag:s31] =	ssyncpa.u1 $0x1  }
0x61: {  	p0 =	sne.s32 s1, $0x0;
	_ =	strace $0x9000004A  }
0x62: {  	s0 =	sadd.s32 @!p0 $0x100000, s0;
	[bflag:$0x2] =	sbarrier.arrive $0xFFFF  }
0x63: {  	[sflag:s0] =	ssyncadd.tile.s32 @!p0 $0x1;
	_ =	shalt  }
.Lfunc_end1:
_tile_overlayer_lowered:
.L_overlay_start_2:
0x64: {  	(tag) =	ssettag $0x2  }
0x65: {  	s0 =	rddreg [dreg:$0x0];
	s2 =	stileid.u32  }
0x66: {  	s1 =	rddreg [dreg:$0x1];
	p0 =	sne.s32 s2, $0x0  }
0x67: {  	s3 =	rddreg [dreg:$0x2];
	[bflag:$0x3] =	sbarrier.arrive $0xFFFF;
	s2 =	simm.s32 @!p0 $0x1C01  }
0x68: {  	[timem:s3], [sflag:s2] =	dma.local @!p0 [hbm:s0], s1  }
0x69: {  	s0 =	simm.s32 @!p0 $0x1  }
0x6a: {  	_ =	swait.ge @!p0 [sflag:s0], s1  }
0x6b: {  	s1 =	ssub.s32 @!p0 $0x0, s1;
	[sflag:s0] =	ssyncset.done @!p0 $0x0  }
0x6c: {  	[sflag:s0] =	ssyncadd.s32 @!p0 s1  }
0x6d: {  	[bflag:$0x3] =	sbarrier.arrive $0xFFFF  }
0x6e: {  	_ =	shalt  }

</sc_bundles>
